<compile_context>
chip_gen: v7x
topology: tpu7x:2x2x1
jax: 0.10.2.dev20260603
libtpu: 0.0.44.dev20260713+nightly
codegen_flags: <defaults>
</compile_context>

<pallas_src>
import functools

import jax
import jax.numpy as jnp
from jax import lax
from jax.experimental import pallas as pl
from jax.experimental.pallas import tpu as pltpu
from jax.experimental.pallas import tpu_sc as plsc

N = 10000
D = 128
E = 320000
NC = 2
NS = 16
NW = NC * NS

NPAD = 10240
ROWS_PER_TILE = NPAD // NS
K = 80
NCH_TOTAL = E // K
CH0 = 126
CH1 = 124
assert NS * (CH0 + CH1) == NCH_TOTAL
CHMAX = max(CH0, CH1)

def _hist_body(e_hbm, out_hbm, idx_v, hist_v, hsum, tb, res_v):
    cid = lax.axis_index("c")
    sid = lax.axis_index("s")

    @pl.when(cid == 0)
    def _():
        pltpu.sync_copy(e_hbm.at[1, pl.ds(sid * CH0, CH0)],
                        idx_v.at[pl.ds(0, CH0)])

    @pl.when(cid != 0)
    def _():
        pltpu.sync_copy(e_hbm.at[1, pl.ds(NS * CH0 + sid * CH1, CH1)],
                        idx_v.at[pl.ds(0, CH1)])

    zv = jnp.full((16,), 0.0, jnp.float32)

    def zrow(r, _):
        hist_v[pl.ds(r * 16, 16)] = zv
        return 0

    lax.fori_loop(0, NPAD // 16, zrow, 0)

    ones = jnp.full((16,), 1.0, jnp.float32)

    def chunk(j, _):
        for k in range(K // 16):
            idx = idx_v[j, pl.ds(k * 16, 16)]
            plsc.addupdate_scatter(hist_v, [idx], ones)
        return 0

    @pl.when(cid == 0)
    def _():
        lax.fori_loop(0, CH0, chunk, 0)

    @pl.when(cid != 0)
    def _():
        lax.fori_loop(0, CH1, chunk, 0)

    pltpu.sync_copy(hist_v, hsum.at[sid])
    plsc.subcore_barrier()

    base = sid * ROWS_PER_TILE
    pltpu.sync_copy(hsum.at[:, pl.ds(base, ROWS_PER_TILE)], tb)

    def red(c, _):
        acc = tb[0, pl.ds(c * 16, 16)]
        for t in range(1, NS):
            acc = acc + tb[t, pl.ds(c * 16, 16)]
        res_v[pl.ds(c * 16, 16)] = acc
        return 0

    lax.fori_loop(0, ROWS_PER_TILE // 16, red, 0)
    pltpu.sync_copy(res_v, out_hbm.at[cid, pl.ds(base, ROWS_PER_TILE)])


@functools.cache
def _hist_kernel():
    mesh = plsc.VectorSubcoreMesh(core_axis_name="c", subcore_axis_name="s")
    return pl.kernel(
        _hist_body,
        out_type=jax.ShapeDtypeStruct((NC, NPAD), jnp.float32),
        mesh=mesh,
        compiler_params=pltpu.CompilerParams(needs_layout_passes=False, use_tc_tiling_on_sc=False),
        scratch_types=[
            pltpu.VMEM((CHMAX, K), jnp.int32),
            pltpu.VMEM((NPAD,), jnp.float32),
            pltpu.VMEM_SHARED((NS, NPAD), jnp.float32),
            pltpu.VMEM((NS, ROWS_PER_TILE), jnp.float32),
            pltpu.VMEM((ROWS_PER_TILE,), jnp.float32),
        ],
    )


def _edge_body(y_hbm, e_hbm, out_hbm,
               src_v, dst_v, rows, acc, gsems):
    cid = lax.axis_index("c")
    sid = lax.axis_index("s")

    @pl.when(cid == 0)
    def _():
        start = sid * CH0
        pltpu.sync_copy(e_hbm.at[0, pl.ds(start, CH0)],
                        src_v.at[pl.ds(0, CH0)])
        pltpu.sync_copy(e_hbm.at[1, pl.ds(start, CH0)],
                        dst_v.at[pl.ds(0, CH0)])

    @pl.when(cid != 0)
    def _():
        start = NS * CH0 + sid * CH1
        pltpu.sync_copy(e_hbm.at[0, pl.ds(start, CH1)],
                        src_v.at[pl.ds(0, CH1)])
        pltpu.sync_copy(e_hbm.at[1, pl.ds(start, CH1)],
                        dst_v.at[pl.ds(0, CH1)])

    zv = jnp.full((16,), 0.0, jnp.float32)

    def zrow(r, _):
        for c in range(D // 16):
            rows[0, r, pl.ds(c * 16, 16)] = zv
        return 0

    lax.fori_loop(0, K, zrow, 0)
    base = sid * ROWS_PER_TILE
    for s in range(ROWS_PER_TILE // K):
        pltpu.sync_copy(rows.at[0], acc.at[pl.ds(base + s * K, K)])
    plsc.subcore_barrier()

    pltpu.async_copy(y_hbm.at[src_v.at[0]], rows.at[0], gsems.at[0])

    def run(nch):
        def step(i, _):
            j = 2 * i
            pltpu.make_async_copy(y_hbm.at[src_v.at[j]], rows.at[0],
                                  gsems.at[0]).wait()
            pltpu.async_copy(y_hbm.at[src_v.at[j + 1]], rows.at[1],
                             gsems.at[1])
            pltpu.sync_copy(rows.at[0], acc.at[dst_v.at[j]], add=True)
            pltpu.make_async_copy(y_hbm.at[src_v.at[j + 1]], rows.at[1],
                                  gsems.at[1]).wait()

            @pl.when(i < nch // 2 - 1)
            def _():
                pltpu.async_copy(y_hbm.at[src_v.at[j + 2]], rows.at[0],
                                 gsems.at[0])

            pltpu.sync_copy(rows.at[1], acc.at[dst_v.at[j + 1]], add=True)
            return 0

        lax.fori_loop(0, nch // 2, step, 0)

    @pl.when(cid == 0)
    def _():
        run(CH0)

    @pl.when(cid != 0)
    def _():
        run(CH1)

    plsc.subcore_barrier()
    pltpu.sync_copy(acc.at[pl.ds(base, ROWS_PER_TILE)],
                    out_hbm.at[cid, pl.ds(base, ROWS_PER_TILE)])


@functools.cache
def _edge_kernel():
    mesh = plsc.VectorSubcoreMesh(core_axis_name="c", subcore_axis_name="s")
    return pl.kernel(
        _edge_body,
        out_type=jax.ShapeDtypeStruct((NC, NPAD, D), jnp.float32),
        mesh=mesh,
        compiler_params=pltpu.CompilerParams(needs_layout_passes=False, use_tc_tiling_on_sc=False),
        scratch_types=[
            pltpu.VMEM((CHMAX, K), jnp.int32),
            pltpu.VMEM((CHMAX, K), jnp.int32),
            pltpu.VMEM((2, K, D), jnp.float32),
            pltpu.VMEM_SHARED((NPAD, D), jnp.float32),
            pltpu.SemaphoreType.DMA((2,)),
        ],
    )


def _prep_body(state_ref, w_ref, hist_ref, y_ref, dinv_ref):
    deg = hist_ref[0, :] + hist_ref[1, :] + 1.0
    dinv = lax.rsqrt(deg)[:N].reshape(N, 1)
    dinv_ref[...] = dinv
    xw = jnp.dot(state_ref[...], w_ref[...], preferred_element_type=jnp.float32)
    y_ref[...] = xw * dinv


def _tc_prep(state, w_conv, hist):
    return pl.pallas_call(
        _prep_body,
        out_shape=[
            jax.ShapeDtypeStruct((N, D), jnp.float32),
            jax.ShapeDtypeStruct((N, 1), jnp.float32),
        ],
    )(state, w_conv, hist)


def _final_body(agg_ref, y_ref, dinv_ref, state_ref, bc_ref,
                w1_ref, b1_ref, w2_ref, b2_ref, w3_ref, b3_ref, out_ref):
    agg = agg_ref[0, :N, :] + agg_ref[1, :N, :]
    conv = dinv_ref[...] * (agg + y_ref[...]) + bc_ref[...]
    h = jnp.maximum(conv, 0.0) + state_ref[...]
    z = jnp.dot(h, w1_ref[...], preferred_element_type=jnp.float32) + b1_ref[...]
    z = jnp.where(z >= 0.0, z, 0.01 * z)
    z = jnp.dot(z, w2_ref[...], preferred_element_type=jnp.float32) + b2_ref[...]
    z = jnp.where(z >= 0.0, z, 0.01 * z)
    t = jnp.sum(z * w3_ref[...], axis=1, keepdims=True) + b3_ref[...]
    c = jnp.maximum(t, 0.0) + jnp.log1p(jnp.exp(-jnp.abs(t)))
    out_ref[...] = c / (jnp.sum(c) + 1e-20)


def _tc_final(agg2, y, dinv, state, b_conv, W1, b1, W2, b2, w3r, b3):
    return pl.pallas_call(
        _final_body,
        out_shape=jax.ShapeDtypeStruct((N, 1), jnp.float32),
    )(agg2, y, dinv, state, b_conv, W1, b1, W2, b2, w3r, b3)


def kernel(state, edge_index, W_conv, b_conv, W1, b1, W2, b2, W3, b3,
           deterministic=True):
    e3 = edge_index.reshape(2, NCH_TOTAL, K)

    hist = _hist_kernel()(e3)
    y, dinv = _tc_prep(state, W_conv, hist)
    agg2 = _edge_kernel()(y, e3)
    action = _tc_final(agg2, y, dinv, state,
                       b_conv.reshape(1, D),
                       W1, b1.reshape(1, -1), W2, b2.reshape(1, -1),
                       W3.reshape(1, -1), b3.reshape(1, 1))
    return action.reshape(N // 10, 10)

# --- scband reference (transcript-rebuilt; emitter-appended) ---
"""Pipeline reference for scband-gnnactor-8091718386001 (READ-ONLY COPY).

The authoritative reference and input builder live on the scoring server;
editing this copy changes nothing except your own understanding.
"""

import jax, jax.numpy as jnp
import numpy as np

N = 10000
E = 320000
D = 128
H = 32
A = 10

def setup_inputs(seed: int = 0):
    key = jax.random.key(seed)
    ks = jax.random.split(key, 8)
    state = jax.random.normal(ks[0], (N, D), dtype=jnp.float32)
    edge_index = jax.random.randint(ks[1], (2, E), 0, N, dtype=jnp.int32)
    W_conv = jax.random.normal(ks[2], (D, D), dtype=jnp.float32) / np.sqrt(D)
    b_conv = jnp.zeros((D,), dtype=jnp.float32)
    W1 = jax.random.normal(ks[3], (D, H), dtype=jnp.float32) / np.sqrt(D)
    b1 = jnp.zeros((H,), dtype=jnp.float32)
    W2 = jax.random.normal(ks[4], (H, H), dtype=jnp.float32) / np.sqrt(H)
    b2 = jnp.zeros((H,), dtype=jnp.float32)
    W3 = jax.random.normal(ks[5], (H, 1), dtype=jnp.float32) / np.sqrt(H)
    b3 = jnp.zeros((1,), dtype=jnp.float32)
    return {"state": state, "edge_index": edge_index, "W_conv": W_conv, "b_conv": b_conv,
            "W1": W1, "b1": b1, "W2": W2, "b2": b2, "W3": W3, "b3": b3,
            "deterministic": True}

def gcn_conv(x, edge_index, W, b):
    # PyG GCNConv: add self-loops, symmetric normalization, x @ W then propagate, + bias
    n = x.shape[0]
    loop = jnp.arange(n, dtype=edge_index.dtype)
    src = jnp.concatenate([edge_index[0], loop])
    dst = jnp.concatenate([edge_index[1], loop])
    xw = x @ W
    deg = jax.ops.segment_sum(jnp.ones_like(dst, dtype=x.dtype), dst, num_segments=n)
    dinv = jnp.where(deg > 0, jax.lax.rsqrt(jnp.maximum(deg, 1e-12)), 0.0)
    norm = dinv[src] * dinv[dst]
    msg = xw[src] * norm[:, None]
    out = jax.ops.segment_sum(msg, dst, num_segments=n)
    return out + b

def reference(state, edge_index, W_conv, b_conv, W1, b1, W2, b2, W3, b3, deterministic=True):
    out = jax.nn.relu(gcn_conv(state, edge_index, W_conv, b_conv))
    x = out + state
    x = x.reshape(-1, A, D)
    x = jax.nn.leaky_relu(x @ W1 + b1, negative_slope=0.01)
    x = jax.nn.leaky_relu(x @ W2 + b2, negative_slope=0.01)
    x = jax.nn.softplus(x @ W3 + b3)
    concentration = jnp.squeeze(x, -1)
    # deterministic branch: normalized concentration as the action
    action = concentration / (concentration.sum() + 1e-20)
    return action

if __name__ == "__main__":
    import jax
    _d = setup_inputs()
    print(jax.jit(kernel)(*tuple(_d.values())))

</pallas_src>

<mosaic_0001>
#map = affine_map<(d0, d1) -> (0, 0)>
#map1 = affine_map<(d0, d1) -> (0, 0, 0)>
module attributes {stable_mosaic.version = 14 : i64} {
  func.func @_edge_body(%arg0: i32, %arg1: i32, %arg2: memref<10000x128xf32, #tpu.memory_space<hbm>>, %arg3: memref<2x4000x80xi32, #tpu.memory_space<hbm>>, %arg4: memref<2x10240x128xf32, #tpu.memory_space<hbm>>, %arg5: memref<126x80xi32, #tpu.memory_space<vmem>>, %arg6: memref<126x80xi32, #tpu.memory_space<vmem>>, %arg7: memref<2x80x128xf32, #tpu.memory_space<vmem>>, %arg8: memref<10240x128xf32, #tpu.memory_space<vmem_shared>>, %arg9: memref<2x!tpu.dma_semaphore, #tpu.memory_space<semaphore_mem>>) attributes {dimension_semantics = [#tpu.dimension_semantics<core_parallel>, #tpu.dimension_semantics<subcore_parallel>], iteration_bounds = array<i64: 2, 16>, scalar_prefetch = 0 : i64, scratch_operands = 5 : i64, tpu.core_type = #tpu.core_type<sc_vector_subcore>, window_params = [{transform_indices = #map}, {transform_indices = #map1}, {transform_indices = #map1}]} {
    %eq3A = arith.constant 0 : i32
    %eq3A_0 = arith.cmpi eq, %arg0, %eq3A : i32
    %convert_element_type3A = arith.extui %eq3A_0 : i1 to i32
    %cond3A = arith.constant 0 : i32
    %cond3A_1 = arith.cmpi ne, %convert_element_type3A, %cond3A : i32
    scf.if %cond3A_1 {
      %mul3A_61 = arith.constant 126 : i32
      %mul3A_62 = arith.muli %arg1, %mul3A_61 : i32
      %run_scoped3A_63 = arith.constant 0 : i32
      "tpu.region"() ({
        %run_scoped3A_65 = tpu.sem_alloc : memref<!tpu.dma_semaphore, #tpu.memory_space<semaphore_mem>>
        %dma_start3A_66 = arith.constant 0 : i32
        %dma_start3A_67 = arith.constant 0 : i32
        %dma_start3A_68 = tpu.memref_slice %arg5[%dma_start3A_66, %dma_start3A_67] : memref<126x80xi32, #tpu.memory_space<vmem>> -> memref<126x80xi32, #tpu.memory_space<vmem>>
        %dma_start3A_69 = arith.constant 0 : i32
        %dma_start3A_70 = tpu.memref_slice %arg3[%run_scoped3A_63, %mul3A_62, %dma_start3A_69] : memref<2x4000x80xi32, #tpu.memory_space<hbm>> -> memref<1x126x80xi32, #tpu.memory_space<hbm>>
        %dma_start3A_71 = tpu.memref_squeeze %dma_start3A_70 : memref<1x126x80xi32, #tpu.memory_space<hbm>> -> memref<126x80xi32, #tpu.memory_space<hbm>>
        %dma_start3A_72 = arith.constant 0 : i32
        %dma_start3A_73 = arith.constant 0 : i32
        %dma_start3A_74 = tpu.memref_slice %arg5[%dma_start3A_72, %dma_start3A_73] : memref<126x80xi32, #tpu.memory_space<vmem>> -> memref<126x80xi32, #tpu.memory_space<vmem>>
        %dma_start3A_75 = arith.constant 0 : i32
        %dma_start3A_76 = tpu.memref_slice %arg3[%run_scoped3A_63, %mul3A_62, %dma_start3A_75] : memref<2x4000x80xi32, #tpu.memory_space<hbm>> -> memref<1x126x80xi32, #tpu.memory_space<hbm>>
        %dma_start3A_77 = tpu.memref_squeeze %dma_start3A_76 : memref<1x126x80xi32, #tpu.memory_space<hbm>> -> memref<126x80xi32, #tpu.memory_space<hbm>>
        tpu.enqueue_dma source(%dma_start3A_77 : memref<126x80xi32, #tpu.memory_space<hbm>>) target(%dma_start3A_74 : memref<126x80xi32, #tpu.memory_space<vmem>>) target_semaphore(%run_scoped3A_65 : memref<!tpu.dma_semaphore, #tpu.memory_space<semaphore_mem>>)
        %dma_wait3A = arith.constant 0 : i32
        %dma_wait3A_78 = arith.constant 0 : i32
        %dma_wait3A_79 = tpu.memref_slice %arg5[%dma_wait3A, %dma_wait3A_78] : memref<126x80xi32, #tpu.memory_space<vmem>> -> memref<126x80xi32, #tpu.memory_space<vmem>>
        %dma_wait3A_80 = arith.constant 0 : i32
        %dma_wait3A_81 = tpu.memref_slice %arg3[%run_scoped3A_63, %mul3A_62, %dma_wait3A_80] : memref<2x4000x80xi32, #tpu.memory_space<hbm>> -> memref<1x126x80xi32, #tpu.memory_space<hbm>>
        %dma_wait3A_82 = tpu.memref_squeeze %dma_wait3A_81 : memref<1x126x80xi32, #tpu.memory_space<hbm>> -> memref<126x80xi32, #tpu.memory_space<hbm>>
        %dma_wait3A_83 = arith.constant 0 : i32
        %dma_wait3A_84 = arith.constant 0 : i32
        %dma_wait3A_85 = tpu.memref_slice %arg5[%dma_wait3A_83, %dma_wait3A_84] : memref<126x80xi32, #tpu.memory_space<vmem>> -> memref<126x80xi32, #tpu.memory_space<vmem>>
        %dma_wait3A_86 = arith.constant 0 : i32
        %dma_wait3A_87 = tpu.memref_slice %arg3[%run_scoped3A_63, %mul3A_62, %dma_wait3A_86] : memref<2x4000x80xi32, #tpu.memory_space<hbm>> -> memref<1x126x80xi32, #tpu.memory_space<hbm>>
        %dma_wait3A_88 = tpu.memref_squeeze %dma_wait3A_87 : memref<1x126x80xi32, #tpu.memory_space<hbm>> -> memref<126x80xi32, #tpu.memory_space<hbm>>
        tpu.wait_dma2 semaphore(%run_scoped3A_65 : memref<!tpu.dma_semaphore, #tpu.memory_space<semaphore_mem>>) src(%dma_wait3A_88 : memref<126x80xi32, #tpu.memory_space<hbm>>) dst(%dma_wait3A_85 : memref<126x80xi32, #tpu.memory_space<vmem>>)
        tpu.yield
      }) : () -> ()
      %run_scoped3A_64 = arith.constant 1 : i32
      "tpu.region"() ({
        %run_scoped3A_65 = tpu.sem_alloc : memref<!tpu.dma_semaphore, #tpu.memory_space<semaphore_mem>>
        %dma_start3A_66 = arith.constant 0 : i32
        %dma_start3A_67 = arith.constant 0 : i32
        %dma_start3A_68 = tpu.memref_slice %arg6[%dma_start3A_66, %dma_start3A_67] : memref<126x80xi32, #tpu.memory_space<vmem>> -> memref<126x80xi32, #tpu.memory_space<vmem>>
        %dma_start3A_69 = arith.constant 0 : i32
        %dma_start3A_70 = tpu.memref_slice %arg3[%run_scoped3A_64, %mul3A_62, %dma_start3A_69] : memref<2x4000x80xi32, #tpu.memory_space<hbm>> -> memref<1x126x80xi32, #tpu.memory_space<hbm>>
        %dma_start3A_71 = tpu.memref_squeeze %dma_start3A_70 : memref<1x126x80xi32, #tpu.memory_space<hbm>> -> memref<126x80xi32, #tpu.memory_space<hbm>>
        %dma_start3A_72 = arith.constant 0 : i32
        %dma_start3A_73 = arith.constant 0 : i32
        %dma_start3A_74 = tpu.memref_slice %arg6[%dma_start3A_72, %dma_start3A_73] : memref<126x80xi32, #tpu.memory_space<vmem>> -> memref<126x80xi32, #tpu.memory_space<vmem>>
        %dma_start3A_75 = arith.constant 0 : i32
        %dma_start3A_76 = tpu.memref_slice %arg3[%run_scoped3A_64, %mul3A_62, %dma_start3A_75] : memref<2x4000x80xi32, #tpu.memory_space<hbm>> -> memref<1x126x80xi32, #tpu.memory_space<hbm>>
        %dma_start3A_77 = tpu.memref_squeeze %dma_start3A_76 : memref<1x126x80xi32, #tpu.memory_space<hbm>> -> memref<126x80xi32, #tpu.memory_space<hbm>>
        tpu.enqueue_dma source(%dma_start3A_77 : memref<126x80xi32, #tpu.memory_space<hbm>>) target(%dma_start3A_74 : memref<126x80xi32, #tpu.memory_space<vmem>>) target_semaphore(%run_scoped3A_65 : memref<!tpu.dma_semaphore, #tpu.memory_space<semaphore_mem>>)
        %dma_wait3A = arith.constant 0 : i32
        %dma_wait3A_78 = arith.constant 0 : i32
        %dma_wait3A_79 = tpu.memref_slice %arg6[%dma_wait3A, %dma_wait3A_78] : memref<126x80xi32, #tpu.memory_space<vmem>> -> memref<126x80xi32, #tpu.memory_space<vmem>>
        %dma_wait3A_80 = arith.constant 0 : i32
        %dma_wait3A_81 = tpu.memref_slice %arg3[%run_scoped3A_64, %mul3A_62, %dma_wait3A_80] : memref<2x4000x80xi32, #tpu.memory_space<hbm>> -> memref<1x126x80xi32, #tpu.memory_space<hbm>>
        %dma_wait3A_82 = tpu.memref_squeeze %dma_wait3A_81 : memref<1x126x80xi32, #tpu.memory_space<hbm>> -> memref<126x80xi32, #tpu.memory_space<hbm>>
        %dma_wait3A_83 = arith.constant 0 : i32
        %dma_wait3A_84 = arith.constant 0 : i32
        %dma_wait3A_85 = tpu.memref_slice %arg6[%dma_wait3A_83, %dma_wait3A_84] : memref<126x80xi32, #tpu.memory_space<vmem>> -> memref<126x80xi32, #tpu.memory_space<vmem>>
        %dma_wait3A_86 = arith.constant 0 : i32
        %dma_wait3A_87 = tpu.memref_slice %arg3[%run_scoped3A_64, %mul3A_62, %dma_wait3A_86] : memref<2x4000x80xi32, #tpu.memory_space<hbm>> -> memref<1x126x80xi32, #tpu.memory_space<hbm>>
        %dma_wait3A_88 = tpu.memref_squeeze %dma_wait3A_87 : memref<1x126x80xi32, #tpu.memory_space<hbm>> -> memref<126x80xi32, #tpu.memory_space<hbm>>
        tpu.wait_dma2 semaphore(%run_scoped3A_65 : memref<!tpu.dma_semaphore, #tpu.memory_space<semaphore_mem>>) src(%dma_wait3A_88 : memref<126x80xi32, #tpu.memory_space<hbm>>) dst(%dma_wait3A_85 : memref<126x80xi32, #tpu.memory_space<vmem>>)
        tpu.yield
      }) : () -> ()
    } else {
    }
    %ne3A = arith.constant 0 : i32
    %ne3A_2 = arith.cmpi ne, %arg0, %ne3A : i32
    %convert_element_type3A_3 = arith.extui %ne3A_2 : i1 to i32
    %cond3A_4 = arith.constant 0 : i32
    %cond3A_5 = arith.cmpi ne, %convert_element_type3A_3, %cond3A_4 : i32
    scf.if %cond3A_5 {
      %mul3A_61 = arith.constant 124 : i32
      %mul3A_62 = arith.muli %arg1, %mul3A_61 : i32
      %add3A_63 = arith.constant 2016 : i32
      %add3A_64 = arith.addi %add3A_63, %mul3A_62 : i32
      %run_scoped3A_65 = arith.constant 0 : i32
      "tpu.region"() ({
        %run_scoped3A_67 = tpu.sem_alloc : memref<!tpu.dma_semaphore, #tpu.memory_space<semaphore_mem>>
        %dma_start3A_68 = arith.constant 0 : i32
        %dma_start3A_69 = arith.constant 0 : i32
        %dma_start3A_70 = tpu.memref_slice %arg5[%dma_start3A_68, %dma_start3A_69] : memref<126x80xi32, #tpu.memory_space<vmem>> -> memref<124x80xi32, #tpu.memory_space<vmem>>
        %dma_start3A_71 = arith.constant 0 : i32
        %dma_start3A_72 = tpu.memref_slice %arg3[%run_scoped3A_65, %add3A_64, %dma_start3A_71] : memref<2x4000x80xi32, #tpu.memory_space<hbm>> -> memref<1x124x80xi32, #tpu.memory_space<hbm>>
        %dma_start3A_73 = tpu.memref_squeeze %dma_start3A_72 : memref<1x124x80xi32, #tpu.memory_space<hbm>> -> memref<124x80xi32, #tpu.memory_space<hbm>>
        %dma_start3A_74 = arith.constant 0 : i32
        %dma_start3A_75 = arith.constant 0 : i32
        %dma_start3A_76 = tpu.memref_slice %arg5[%dma_start3A_74, %dma_start3A_75] : memref<126x80xi32, #tpu.memory_space<vmem>> -> memref<124x80xi32, #tpu.memory_space<vmem>>
        %dma_start3A_77 = arith.constant 0 : i32
        %dma_start3A_78 = tpu.memref_slice %arg3[%run_scoped3A_65, %add3A_64, %dma_start3A_77] : memref<2x4000x80xi32, #tpu.memory_space<hbm>> -> memref<1x124x80xi32, #tpu.memory_space<hbm>>
        %dma_start3A_79 = tpu.memref_squeeze %dma_start3A_78 : memref<1x124x80xi32, #tpu.memory_space<hbm>> -> memref<124x80xi32, #tpu.memory_space<hbm>>
        tpu.enqueue_dma source(%dma_start3A_79 : memref<124x80xi32, #tpu.memory_space<hbm>>) target(%dma_start3A_76 : memref<124x80xi32, #tpu.memory_space<vmem>>) target_semaphore(%run_scoped3A_67 : memref<!tpu.dma_semaphore, #tpu.memory_space<semaphore_mem>>)
        %dma_wait3A = arith.constant 0 : i32
        %dma_wait3A_80 = arith.constant 0 : i32
        %dma_wait3A_81 = tpu.memref_slice %arg5[%dma_wait3A, %dma_wait3A_80] : memref<126x80xi32, #tpu.memory_space<vmem>> -> memref<124x80xi32, #tpu.memory_space<vmem>>
        %dma_wait3A_82 = arith.constant 0 : i32
        %dma_wait3A_83 = tpu.memref_slice %arg3[%run_scoped3A_65, %add3A_64, %dma_wait3A_82] : memref<2x4000x80xi32, #tpu.memory_space<hbm>> -> memref<1x124x80xi32, #tpu.memory_space<hbm>>
        %dma_wait3A_84 = tpu.memref_squeeze %dma_wait3A_83 : memref<1x124x80xi32, #tpu.memory_space<hbm>> -> memref<124x80xi32, #tpu.memory_space<hbm>>
        %dma_wait3A_85 = arith.constant 0 : i32
        %dma_wait3A_86 = arith.constant 0 : i32
        %dma_wait3A_87 = tpu.memref_slice %arg5[%dma_wait3A_85, %dma_wait3A_86] : memref<126x80xi32, #tpu.memory_space<vmem>> -> memref<124x80xi32, #tpu.memory_space<vmem>>
        %dma_wait3A_88 = arith.constant 0 : i32
        %dma_wait3A_89 = tpu.memref_slice %arg3[%run_scoped3A_65, %add3A_64, %dma_wait3A_88] : memref<2x4000x80xi32, #tpu.memory_space<hbm>> -> memref<1x124x80xi32, #tpu.memory_space<hbm>>
        %dma_wait3A_90 = tpu.memref_squeeze %dma_wait3A_89 : memref<1x124x80xi32, #tpu.memory_space<hbm>> -> memref<124x80xi32, #tpu.memory_space<hbm>>
        tpu.wait_dma2 semaphore(%run_scoped3A_67 : memref<!tpu.dma_semaphore, #tpu.memory_space<semaphore_mem>>) src(%dma_wait3A_90 : memref<124x80xi32, #tpu.memory_space<hbm>>) dst(%dma_wait3A_87 : memref<124x80xi32, #tpu.memory_space<vmem>>)
        tpu.yield
      }) : () -> ()
      %run_scoped3A_66 = arith.constant 1 : i32
      "tpu.region"() ({
        %run_scoped3A_67 = tpu.sem_alloc : memref<!tpu.dma_semaphore, #tpu.memory_space<semaphore_mem>>
        %dma_start3A_68 = arith.constant 0 : i32
        %dma_start3A_69 = arith.constant 0 : i32
        %dma_start3A_70 = tpu.memref_slice %arg6[%dma_start3A_68, %dma_start3A_69] : memref<126x80xi32, #tpu.memory_space<vmem>> -> memref<124x80xi32, #tpu.memory_space<vmem>>
        %dma_start3A_71 = arith.constant 0 : i32
        %dma_start3A_72 = tpu.memref_slice %arg3[%run_scoped3A_66, %add3A_64, %dma_start3A_71] : memref<2x4000x80xi32, #tpu.memory_space<hbm>> -> memref<1x124x80xi32, #tpu.memory_space<hbm>>
        %dma_start3A_73 = tpu.memref_squeeze %dma_start3A_72 : memref<1x124x80xi32, #tpu.memory_space<hbm>> -> memref<124x80xi32, #tpu.memory_space<hbm>>
        %dma_start3A_74 = arith.constant 0 : i32
        %dma_start3A_75 = arith.constant 0 : i32
        %dma_start3A_76 = tpu.memref_slice %arg6[%dma_start3A_74, %dma_start3A_75] : memref<126x80xi32, #tpu.memory_space<vmem>> -> memref<124x80xi32, #tpu.memory_space<vmem>>
        %dma_start3A_77 = arith.constant 0 : i32
        %dma_start3A_78 = tpu.memref_slice %arg3[%run_scoped3A_66, %add3A_64, %dma_start3A_77] : memref<2x4000x80xi32, #tpu.memory_space<hbm>> -> memref<1x124x80xi32, #tpu.memory_space<hbm>>
        %dma_start3A_79 = tpu.memref_squeeze %dma_start3A_78 : memref<1x124x80xi32, #tpu.memory_space<hbm>> -> memref<124x80xi32, #tpu.memory_space<hbm>>
        tpu.enqueue_dma source(%dma_start3A_79 : memref<124x80xi32, #tpu.memory_space<hbm>>) target(%dma_start3A_76 : memref<124x80xi32, #tpu.memory_space<vmem>>) target_semaphore(%run_scoped3A_67 : memref<!tpu.dma_semaphore, #tpu.memory_space<semaphore_mem>>)
        %dma_wait3A = arith.constant 0 : i32
        %dma_wait3A_80 = arith.constant 0 : i32
        %dma_wait3A_81 = tpu.memref_slice %arg6[%dma_wait3A, %dma_wait3A_80] : memref<126x80xi32, #tpu.memory_space<vmem>> -> memref<124x80xi32, #tpu.memory_space<vmem>>
        %dma_wait3A_82 = arith.constant 0 : i32
        %dma_wait3A_83 = tpu.memref_slice %arg3[%run_scoped3A_66, %add3A_64, %dma_wait3A_82] : memref<2x4000x80xi32, #tpu.memory_space<hbm>> -> memref<1x124x80xi32, #tpu.memory_space<hbm>>
        %dma_wait3A_84 = tpu.memref_squeeze %dma_wait3A_83 : memref<1x124x80xi32, #tpu.memory_space<hbm>> -> memref<124x80xi32, #tpu.memory_space<hbm>>
        %dma_wait3A_85 = arith.constant 0 : i32
        %dma_wait3A_86 = arith.constant 0 : i32
        %dma_wait3A_87 = tpu.memref_slice %arg6[%dma_wait3A_85, %dma_wait3A_86] : memref<126x80xi32, #tpu.memory_space<vmem>> -> memref<124x80xi32, #tpu.memory_space<vmem>>
        %dma_wait3A_88 = arith.constant 0 : i32
        %dma_wait3A_89 = tpu.memref_slice %arg3[%run_scoped3A_66, %add3A_64, %dma_wait3A_88] : memref<2x4000x80xi32, #tpu.memory_space<hbm>> -> memref<1x124x80xi32, #tpu.memory_space<hbm>>
        %dma_wait3A_90 = tpu.memref_squeeze %dma_wait3A_89 : memref<1x124x80xi32, #tpu.memory_space<hbm>> -> memref<124x80xi32, #tpu.memory_space<hbm>>
        tpu.wait_dma2 semaphore(%run_scoped3A_67 : memref<!tpu.dma_semaphore, #tpu.memory_space<semaphore_mem>>) src(%dma_wait3A_90 : memref<124x80xi32, #tpu.memory_space<hbm>>) dst(%dma_wait3A_87 : memref<124x80xi32, #tpu.memory_space<vmem>>)
        tpu.yield
      }) : () -> ()
    } else {
    }
    %broadcast_in_dim3A = arith.constant 0.000000e+00 : f32
    %broadcast_in_dim3A_6 = vector.broadcast %broadcast_in_dim3A : f32 to vector<16xf32>
    %scan3A = arith.constant 0 : i32
    %scan3A_7 = arith.constant 0 : i32
    %scan3A_8 = arith.constant 80 : i32
    %scan3A_9 = arith.addi %scan3A_7, %scan3A_8 : i32
    %scan3A_10 = arith.constant 1 : i32
    %scan3A_11 = scf.for %scan3A_61 = %scan3A_7 to %scan3A_9 step %scan3A_10 iter_args(%scan3A_62 = %scan3A) -> (i32)  : i32 {
      %swap3A = arith.constant 0 : i32
      %swap3A_63 = arith.index_cast %swap3A : i32 to index
      %swap3A_64 = arith.index_cast %scan3A_61 : i32 to index
      %swap3A_65 = arith.constant 0 : index
      %swap3A_66 = tpu.vector_load %arg7[%swap3A_63, %swap3A_64, %swap3A_65] {strides = array<i32>} : memref<2x80x128xf32, #tpu.memory_space<vmem>>, vector<16xf32>,
      tpu.vector_store %arg7[%swap3A_63, %swap3A_64, %swap3A_65], %broadcast_in_dim3A_6 {strides = array<i32>} : memref<2x80x128xf32, #tpu.memory_space<vmem>>, vector<16xf32>,
      %swap3A_67 = arith.constant 0 : i32
      %swap3A_68 = arith.index_cast %swap3A_67 : i32 to index
      %swap3A_69 = arith.index_cast %scan3A_61 : i32 to index
      %swap3A_70 = arith.constant 16 : index
      %swap3A_71 = tpu.vector_load %arg7[%swap3A_68, %swap3A_69, %swap3A_70] {strides = array<i32>} : memref<2x80x128xf32, #tpu.memory_space<vmem>>, vector<16xf32>,
      tpu.vector_store %arg7[%swap3A_68, %swap3A_69, %swap3A_70], %broadcast_in_dim3A_6 {strides = array<i32>} : memref<2x80x128xf32, #tpu.memory_space<vmem>>, vector<16xf32>,
      %swap3A_72 = arith.constant 0 : i32
      %swap3A_73 = arith.index_cast %swap3A_72 : i32 to index
      %swap3A_74 = arith.index_cast %scan3A_61 : i32 to index
      %swap3A_75 = arith.constant 32 : index
      %swap3A_76 = tpu.vector_load %arg7[%swap3A_73, %swap3A_74, %swap3A_75] {strides = array<i32>} : memref<2x80x128xf32, #tpu.memory_space<vmem>>, vector<16xf32>,
      tpu.vector_store %arg7[%swap3A_73, %swap3A_74, %swap3A_75], %broadcast_in_dim3A_6 {strides = array<i32>} : memref<2x80x128xf32, #tpu.memory_space<vmem>>, vector<16xf32>,
      %swap3A_77 = arith.constant 0 : i32
      %swap3A_78 = arith.index_cast %swap3A_77 : i32 to index
      %swap3A_79 = arith.index_cast %scan3A_61 : i32 to index
      %swap3A_80 = arith.constant 48 : index
      %swap3A_81 = tpu.vector_load %arg7[%swap3A_78, %swap3A_79, %swap3A_80] {strides = array<i32>} : memref<2x80x128xf32, #tpu.memory_space<vmem>>, vector<16xf32>,
      tpu.vector_store %arg7[%swap3A_78, %swap3A_79, %swap3A_80], %broadcast_in_dim3A_6 {strides = array<i32>} : memref<2x80x128xf32, #tpu.memory_space<vmem>>, vector<16xf32>,
      %swap3A_82 = arith.constant 0 : i32
      %swap3A_83 = arith.index_cast %swap3A_82 : i32 to index
      %swap3A_84 = arith.index_cast %scan3A_61 : i32 to index
      %swap3A_85 = arith.constant 64 : index
      %swap3A_86 = tpu.vector_load %arg7[%swap3A_83, %swap3A_84, %swap3A_85] {strides = array<i32>} : memref<2x80x128xf32, #tpu.memory_space<vmem>>, vector<16xf32>,
      tpu.vector_store %arg7[%swap3A_83, %swap3A_84, %swap3A_85], %broadcast_in_dim3A_6 {strides = array<i32>} : memref<2x80x128xf32, #tpu.memory_space<vmem>>, vector<16xf32>,
      %swap3A_87 = arith.constant 0 : i32
      %swap3A_88 = arith.index_cast %swap3A_87 : i32 to index
      %swap3A_89 = arith.index_cast %scan3A_61 : i32 to index
      %swap3A_90 = arith.constant 80 : index
      %swap3A_91 = tpu.vector_load %arg7[%swap3A_88, %swap3A_89, %swap3A_90] {strides = array<i32>} : memref<2x80x128xf32, #tpu.memory_space<vmem>>, vector<16xf32>,
      tpu.vector_store %arg7[%swap3A_88, %swap3A_89, %swap3A_90], %broadcast_in_dim3A_6 {strides = array<i32>} : memref<2x80x128xf32, #tpu.memory_space<vmem>>, vector<16xf32>,
      %swap3A_92 = arith.constant 0 : i32
      %swap3A_93 = arith.index_cast %swap3A_92 : i32 to index
      %swap3A_94 = arith.index_cast %scan3A_61 : i32 to index
      %swap3A_95 = arith.constant 96 : index
      %swap3A_96 = tpu.vector_load %arg7[%swap3A_93, %swap3A_94, %swap3A_95] {strides = array<i32>} : memref<2x80x128xf32, #tpu.memory_space<vmem>>, vector<16xf32>,
      tpu.vector_store %arg7[%swap3A_93, %swap3A_94, %swap3A_95], %broadcast_in_dim3A_6 {strides = array<i32>} : memref<2x80x128xf32, #tpu.memory_space<vmem>>, vector<16xf32>,
      %swap3A_97 = arith.constant 0 : i32
      %swap3A_98 = arith.index_cast %swap3A_97 : i32 to index
      %swap3A_99 = arith.index_cast %scan3A_61 : i32 to index
      %swap3A_100 = arith.constant 112 : index
      %swap3A_101 = tpu.vector_load %arg7[%swap3A_98, %swap3A_99, %swap3A_100] {strides = array<i32>} : memref<2x80x128xf32, #tpu.memory_space<vmem>>, vector<16xf32>,
      tpu.vector_store %arg7[%swap3A_98, %swap3A_99, %swap3A_100], %broadcast_in_dim3A_6 {strides = array<i32>} : memref<2x80x128xf32, #tpu.memory_space<vmem>>, vector<16xf32>,
      %scan3A_102 = arith.constant 0 : i32
      scf.yield %scan3A_102 : i32
    }
    %scan3A_12 = arith.constant 80 : i32
    %mul3A = arith.constant 640 : i32
    %mul3A_13 = arith.muli %arg1, %mul3A : i32
    %add3A = arith.constant 0 : i32
    %add3A_14 = arith.addi %mul3A_13, %add3A : i32
    %run_scoped3A = arith.constant 0 : i32
    "tpu.region"() ({
      %run_scoped3A_61 = tpu.sem_alloc : memref<!tpu.dma_semaphore, #tpu.memory_space<semaphore_mem>>
      %dma_start3A_62 = arith.constant 0 : i32
      %dma_start3A_63 = arith.constant 0 : i32
      %dma_start3A_64 = tpu.memref_slice %arg7[%run_scoped3A, %dma_start3A_62, %dma_start3A_63] : memref<2x80x128xf32, #tpu.memory_space<vmem>> -> memref<1x80x128xf32, #tpu.memory_space<vmem>>
      %dma_start3A_65 = tpu.memref_squeeze %dma_start3A_64 : memref<1x80x128xf32, #tpu.memory_space<vmem>> -> memref<80x128xf32, #tpu.memory_space<vmem>>
      %dma_start3A_66 = arith.constant 0 : i32
      %dma_start3A_67 = tpu.memref_slice %arg8[%add3A_14, %dma_start3A_66] : memref<10240x128xf32, #tpu.memory_space<vmem_shared>> -> memref<80x128xf32, #tpu.memory_space<vmem_shared>>
      %dma_start3A_68 = arith.constant 0 : i32
      %dma_start3A_69 = tpu.memref_slice %arg8[%add3A_14, %dma_start3A_68] : memref<10240x128xf32, #tpu.memory_space<vmem_shared>> -> memref<80x128xf32, #tpu.memory_space<vmem_shared>>
      %dma_start3A_70 = arith.constant 0 : i32
      %dma_start3A_71 = arith.constant 0 : i32
      %dma_start3A_72 = tpu.memref_slice %arg7[%run_scoped3A, %dma_start3A_70, %dma_start3A_71] : memref<2x80x128xf32, #tpu.memory_space<vmem>> -> memref<1x80x128xf32, #tpu.memory_space<vmem>>
      %dma_start3A_73 = tpu.memref_squeeze %dma_start3A_72 : memref<1x80x128xf32, #tpu.memory_space<vmem>> -> memref<80x128xf32, #tpu.memory_space<vmem>>
      tpu.enqueue_dma source(%dma_start3A_73 : memref<80x128xf32, #tpu.memory_space<vmem>>) target(%dma_start3A_69 : memref<80x128xf32, #tpu.memory_space<vmem_shared>>) target_semaphore(%run_scoped3A_61 : memref<!tpu.dma_semaphore, #tpu.memory_space<semaphore_mem>>)
      %dma_wait3A = arith.constant 0 : i32
      %dma_wait3A_74 = arith.constant 0 : i32
      %dma_wait3A_75 = tpu.memref_slice %arg7[%run_scoped3A, %dma_wait3A, %dma_wait3A_74] : memref<2x80x128xf32, #tpu.memory_space<vmem>> -> memref<1x80x128xf32, #tpu.memory_space<vmem>>
      %dma_wait3A_76 = tpu.memref_squeeze %dma_wait3A_75 : memref<1x80x128xf32, #tpu.memory_space<vmem>> -> memref<80x128xf32, #tpu.memory_space<vmem>>
      %dma_wait3A_77 = arith.constant 0 : i32
      %dma_wait3A_78 = tpu.memref_slice %arg8[%add3A_14, %dma_wait3A_77] : memref<10240x128xf32, #tpu.memory_space<vmem_shared>> -> memref<80x128xf32, #tpu.memory_space<vmem_shared>>
      %dma_wait3A_79 = arith.constant 0 : i32
      %dma_wait3A_80 = tpu.memref_slice %arg8[%add3A_14, %dma_wait3A_79] : memref<10240x128xf32, #tpu.memory_space<vmem_shared>> -> memref<80x128xf32, #tpu.memory_space<vmem_shared>>
      %dma_wait3A_81 = arith.constant 0 : i32
      %dma_wait3A_82 = arith.constant 0 : i32
      %dma_wait3A_83 = tpu.memref_slice %arg7[%run_scoped3A, %dma_wait3A_81, %dma_wait3A_82] : memref<2x80x128xf32, #tpu.memory_space<vmem>> -> memref<1x80x128xf32, #tpu.memory_space<vmem>>
      %dma_wait3A_84 = tpu.memref_squeeze %dma_wait3A_83 : memref<1x80x128xf32, #tpu.memory_space<vmem>> -> memref<80x128xf32, #tpu.memory_space<vmem>>
      tpu.wait_dma2 semaphore(%run_scoped3A_61 : memref<!tpu.dma_semaphore, #tpu.memory_space<semaphore_mem>>) src(%dma_wait3A_84 : memref<80x128xf32, #tpu.memory_space<vmem>>) dst(%dma_wait3A_80 : memref<80x128xf32, #tpu.memory_space<vmem_shared>>)
      tpu.yield
    }) : () -> ()
    %add3A_15 = arith.constant 80 : i32
    %add3A_16 = arith.addi %mul3A_13, %add3A_15 : i32
    %run_scoped3A_17 = arith.constant 0 : i32
    "tpu.region"() ({
      %run_scoped3A_61 = tpu.sem_alloc : memref<!tpu.dma_semaphore, #tpu.memory_space<semaphore_mem>>
      %dma_start3A_62 = arith.constant 0 : i32
      %dma_start3A_63 = arith.constant 0 : i32
      %dma_start3A_64 = tpu.memref_slice %arg7[%run_scoped3A_17, %dma_start3A_62, %dma_start3A_63] : memref<2x80x128xf32, #tpu.memory_space<vmem>> -> memref<1x80x128xf32, #tpu.memory_space<vmem>>
      %dma_start3A_65 = tpu.memref_squeeze %dma_start3A_64 : memref<1x80x128xf32, #tpu.memory_space<vmem>> -> memref<80x128xf32, #tpu.memory_space<vmem>>
      %dma_start3A_66 = arith.constant 0 : i32
      %dma_start3A_67 = tpu.memref_slice %arg8[%add3A_16, %dma_start3A_66] : memref<10240x128xf32, #tpu.memory_space<vmem_shared>> -> memref<80x128xf32, #tpu.memory_space<vmem_shared>>
      %dma_start3A_68 = arith.constant 0 : i32
      %dma_start3A_69 = tpu.memref_slice %arg8[%add3A_16, %dma_start3A_68] : memref<10240x128xf32, #tpu.memory_space<vmem_shared>> -> memref<80x128xf32, #tpu.memory_space<vmem_shared>>
      %dma_start3A_70 = arith.constant 0 : i32
      %dma_start3A_71 = arith.constant 0 : i32
      %dma_start3A_72 = tpu.memref_slice %arg7[%run_scoped3A_17, %dma_start3A_70, %dma_start3A_71] : memref<2x80x128xf32, #tpu.memory_space<vmem>> -> memref<1x80x128xf32, #tpu.memory_space<vmem>>
      %dma_start3A_73 = tpu.memref_squeeze %dma_start3A_72 : memref<1x80x128xf32, #tpu.memory_space<vmem>> -> memref<80x128xf32, #tpu.memory_space<vmem>>
      tpu.enqueue_dma source(%dma_start3A_73 : memref<80x128xf32, #tpu.memory_space<vmem>>) target(%dma_start3A_69 : memref<80x128xf32, #tpu.memory_space<vmem_shared>>) target_semaphore(%run_scoped3A_61 : memref<!tpu.dma_semaphore, #tpu.memory_space<semaphore_mem>>)
      %dma_wait3A = arith.constant 0 : i32
      %dma_wait3A_74 = arith.constant 0 : i32
      %dma_wait3A_75 = tpu.memref_slice %arg7[%run_scoped3A_17, %dma_wait3A, %dma_wait3A_74] : memref<2x80x128xf32, #tpu.memory_space<vmem>> -> memref<1x80x128xf32, #tpu.memory_space<vmem>>
      %dma_wait3A_76 = tpu.memref_squeeze %dma_wait3A_75 : memref<1x80x128xf32, #tpu.memory_space<vmem>> -> memref<80x128xf32, #tpu.memory_space<vmem>>
      %dma_wait3A_77 = arith.constant 0 : i32
      %dma_wait3A_78 = tpu.memref_slice %arg8[%add3A_16, %dma_wait3A_77] : memref<10240x128xf32, #tpu.memory_space<vmem_shared>> -> memref<80x128xf32, #tpu.memory_space<vmem_shared>>
      %dma_wait3A_79 = arith.constant 0 : i32
      %dma_wait3A_80 = tpu.memref_slice %arg8[%add3A_16, %dma_wait3A_79] : memref<10240x128xf32, #tpu.memory_space<vmem_shared>> -> memref<80x128xf32, #tpu.memory_space<vmem_shared>>
      %dma_wait3A_81 = arith.constant 0 : i32
      %dma_wait3A_82 = arith.constant 0 : i32
      %dma_wait3A_83 = tpu.memref_slice %arg7[%run_scoped3A_17, %dma_wait3A_81, %dma_wait3A_82] : memref<2x80x128xf32, #tpu.memory_space<vmem>> -> memref<1x80x128xf32, #tpu.memory_space<vmem>>
      %dma_wait3A_84 = tpu.memref_squeeze %dma_wait3A_83 : memref<1x80x128xf32, #tpu.memory_space<vmem>> -> memref<80x128xf32, #tpu.memory_space<vmem>>
      tpu.wait_dma2 semaphore(%run_scoped3A_61 : memref<!tpu.dma_semaphore, #tpu.memory_space<semaphore_mem>>) src(%dma_wait3A_84 : memref<80x128xf32, #tpu.memory_space<vmem>>) dst(%dma_wait3A_80 : memref<80x128xf32, #tpu.memory_space<vmem_shared>>)
      tpu.yield
    }) : () -> ()
    %add3A_18 = arith.constant 160 : i32
    %add3A_19 = arith.addi %mul3A_13, %add3A_18 : i32
    %run_scoped3A_20 = arith.constant 0 : i32
    "tpu.region"() ({
      %run_scoped3A_61 = tpu.sem_alloc : memref<!tpu.dma_semaphore, #tpu.memory_space<semaphore_mem>>
      %dma_start3A_62 = arith.constant 0 : i32
      %dma_start3A_63 = arith.constant 0 : i32
      %dma_start3A_64 = tpu.memref_slice %arg7[%run_scoped3A_20, %dma_start3A_62, %dma_start3A_63] : memref<2x80x128xf32, #tpu.memory_space<vmem>> -> memref<1x80x128xf32, #tpu.memory_space<vmem>>
      %dma_start3A_65 = tpu.memref_squeeze %dma_start3A_64 : memref<1x80x128xf32, #tpu.memory_space<vmem>> -> memref<80x128xf32, #tpu.memory_space<vmem>>
      %dma_start3A_66 = arith.constant 0 : i32
      %dma_start3A_67 = tpu.memref_slice %arg8[%add3A_19, %dma_start3A_66] : memref<10240x128xf32, #tpu.memory_space<vmem_shared>> -> memref<80x128xf32, #tpu.memory_space<vmem_shared>>
      %dma_start3A_68 = arith.constant 0 : i32
      %dma_start3A_69 = tpu.memref_slice %arg8[%add3A_19, %dma_start3A_68] : memref<10240x128xf32, #tpu.memory_space<vmem_shared>> -> memref<80x128xf32, #tpu.memory_space<vmem_shared>>
      %dma_start3A_70 = arith.constant 0 : i32
      %dma_start3A_71 = arith.constant 0 : i32
      %dma_start3A_72 = tpu.memref_slice %arg7[%run_scoped3A_20, %dma_start3A_70, %dma_start3A_71] : memref<2x80x128xf32, #tpu.memory_space<vmem>> -> memref<1x80x128xf32, #tpu.memory_space<vmem>>
      %dma_start3A_73 = tpu.memref_squeeze %dma_start3A_72 : memref<1x80x128xf32, #tpu.memory_space<vmem>> -> memref<80x128xf32, #tpu.memory_space<vmem>>
      tpu.enqueue_dma source(%dma_start3A_73 : memref<80x128xf32, #tpu.memory_space<vmem>>) target(%dma_start3A_69 : memref<80x128xf32, #tpu.memory_space<vmem_shared>>) target_semaphore(%run_scoped3A_61 : memref<!tpu.dma_semaphore, #tpu.memory_space<semaphore_mem>>)
      %dma_wait3A = arith.constant 0 : i32
      %dma_wait3A_74 = arith.constant 0 : i32
      %dma_wait3A_75 = tpu.memref_slice %arg7[%run_scoped3A_20, %dma_wait3A, %dma_wait3A_74] : memref<2x80x128xf32, #tpu.memory_space<vmem>> -> memref<1x80x128xf32, #tpu.memory_space<vmem>>
      %dma_wait3A_76 = tpu.memref_squeeze %dma_wait3A_75 : memref<1x80x128xf32, #tpu.memory_space<vmem>> -> memref<80x128xf32, #tpu.memory_space<vmem>>
      %dma_wait3A_77 = arith.constant 0 : i32
      %dma_wait3A_78 = tpu.memref_slice %arg8[%add3A_19, %dma_wait3A_77] : memref<10240x128xf32, #tpu.memory_space<vmem_shared>> -> memref<80x128xf32, #tpu.memory_space<vmem_shared>>
      %dma_wait3A_79 = arith.constant 0 : i32
      %dma_wait3A_80 = tpu.memref_slice %arg8[%add3A_19, %dma_wait3A_79] : memref<10240x128xf32, #tpu.memory_space<vmem_shared>> -> memref<80x128xf32, #tpu.memory_space<vmem_shared>>
      %dma_wait3A_81 = arith.constant 0 : i32
      %dma_wait3A_82 = arith.constant 0 : i32
      %dma_wait3A_83 = tpu.memref_slice %arg7[%run_scoped3A_20, %dma_wait3A_81, %dma_wait3A_82] : memref<2x80x128xf32, #tpu.memory_space<vmem>> -> memref<1x80x128xf32, #tpu.memory_space<vmem>>
      %dma_wait3A_84 = tpu.memref_squeeze %dma_wait3A_83 : memref<1x80x128xf32, #tpu.memory_space<vmem>> -> memref<80x128xf32, #tpu.memory_space<vmem>>
      tpu.wait_dma2 semaphore(%run_scoped3A_61 : memref<!tpu.dma_semaphore, #tpu.memory_space<semaphore_mem>>) src(%dma_wait3A_84 : memref<80x128xf32, #tpu.memory_space<vmem>>) dst(%dma_wait3A_80 : memref<80x128xf32, #tpu.memory_space<vmem_shared>>)
      tpu.yield
    }) : () -> ()
    %add3A_21 = arith.constant 240 : i32
    %add3A_22 = arith.addi %mul3A_13, %add3A_21 : i32
    %run_scoped3A_23 = arith.constant 0 : i32
    "tpu.region"() ({
      %run_scoped3A_61 = tpu.sem_alloc : memref<!tpu.dma_semaphore, #tpu.memory_space<semaphore_mem>>
      %dma_start3A_62 = arith.constant 0 : i32
      %dma_start3A_63 = arith.constant 0 : i32
      %dma_start3A_64 = tpu.memref_slice %arg7[%run_scoped3A_23, %dma_start3A_62, %dma_start3A_63] : memref<2x80x128xf32, #tpu.memory_space<vmem>> -> memref<1x80x128xf32, #tpu.memory_space<vmem>>
      %dma_start3A_65 = tpu.memref_squeeze %dma_start3A_64 : memref<1x80x128xf32, #tpu.memory_space<vmem>> -> memref<80x128xf32, #tpu.memory_space<vmem>>
      %dma_start3A_66 = arith.constant 0 : i32
      %dma_start3A_67 = tpu.memref_slice %arg8[%add3A_22, %dma_start3A_66] : memref<10240x128xf32, #tpu.memory_space<vmem_shared>> -> memref<80x128xf32, #tpu.memory_space<vmem_shared>>
      %dma_start3A_68 = arith.constant 0 : i32
      %dma_start3A_69 = tpu.memref_slice %arg8[%add3A_22, %dma_start3A_68] : memref<10240x128xf32, #tpu.memory_space<vmem_shared>> -> memref<80x128xf32, #tpu.memory_space<vmem_shared>>
      %dma_start3A_70 = arith.constant 0 : i32
      %dma_start3A_71 = arith.constant 0 : i32
      %dma_start3A_72 = tpu.memref_slice %arg7[%run_scoped3A_23, %dma_start3A_70, %dma_start3A_71] : memref<2x80x128xf32, #tpu.memory_space<vmem>> -> memref<1x80x128xf32, #tpu.memory_space<vmem>>
      %dma_start3A_73 = tpu.memref_squeeze %dma_start3A_72 : memref<1x80x128xf32, #tpu.memory_space<vmem>> -> memref<80x128xf32, #tpu.memory_space<vmem>>
      tpu.enqueue_dma source(%dma_start3A_73 : memref<80x128xf32, #tpu.memory_space<vmem>>) target(%dma_start3A_69 : memref<80x128xf32, #tpu.memory_space<vmem_shared>>) target_semaphore(%run_scoped3A_61 : memref<!tpu.dma_semaphore, #tpu.memory_space<semaphore_mem>>)
      %dma_wait3A = arith.constant 0 : i32
      %dma_wait3A_74 = arith.constant 0 : i32
      %dma_wait3A_75 = tpu.memref_slice %arg7[%run_scoped3A_23, %dma_wait3A, %dma_wait3A_74] : memref<2x80x128xf32, #tpu.memory_space<vmem>> -> memref<1x80x128xf32, #tpu.memory_space<vmem>>
      %dma_wait3A_76 = tpu.memref_squeeze %dma_wait3A_75 : memref<1x80x128xf32, #tpu.memory_space<vmem>> -> memref<80x128xf32, #tpu.memory_space<vmem>>
      %dma_wait3A_77 = arith.constant 0 : i32
      %dma_wait3A_78 = tpu.memref_slice %arg8[%add3A_22, %dma_wait3A_77] : memref<10240x128xf32, #tpu.memory_space<vmem_shared>> -> memref<80x128xf32, #tpu.memory_space<vmem_shared>>
      %dma_wait3A_79 = arith.constant 0 : i32
      %dma_wait3A_80 = tpu.memref_slice %arg8[%add3A_22, %dma_wait3A_79] : memref<10240x128xf32, #tpu.memory_space<vmem_shared>> -> memref<80x128xf32, #tpu.memory_space<vmem_shared>>
      %dma_wait3A_81 = arith.constant 0 : i32
      %dma_wait3A_82 = arith.constant 0 : i32
      %dma_wait3A_83 = tpu.memref_slice %arg7[%run_scoped3A_23, %dma_wait3A_81, %dma_wait3A_82] : memref<2x80x128xf32, #tpu.memory_space<vmem>> -> memref<1x80x128xf32, #tpu.memory_space<vmem>>
      %dma_wait3A_84 = tpu.memref_squeeze %dma_wait3A_83 : memref<1x80x128xf32, #tpu.memory_space<vmem>> -> memref<80x128xf32, #tpu.memory_space<vmem>>
      tpu.wait_dma2 semaphore(%run_scoped3A_61 : memref<!tpu.dma_semaphore, #tpu.memory_space<semaphore_mem>>) src(%dma_wait3A_84 : memref<80x128xf32, #tpu.memory_space<vmem>>) dst(%dma_wait3A_80 : memref<80x128xf32, #tpu.memory_space<vmem_shared>>)
      tpu.yield
    }) : () -> ()
    %add3A_24 = arith.constant 320 : i32
    %add3A_25 = arith.addi %mul3A_13, %add3A_24 : i32
    %run_scoped3A_26 = arith.constant 0 : i32
    "tpu.region"() ({
      %run_scoped3A_61 = tpu.sem_alloc : memref<!tpu.dma_semaphore, #tpu.memory_space<semaphore_mem>>
      %dma_start3A_62 = arith.constant 0 : i32
      %dma_start3A_63 = arith.constant 0 : i32
      %dma_start3A_64 = tpu.memref_slice %arg7[%run_scoped3A_26, %dma_start3A_62, %dma_start3A_63] : memref<2x80x128xf32, #tpu.memory_space<vmem>> -> memref<1x80x128xf32, #tpu.memory_space<vmem>>
      %dma_start3A_65 = tpu.memref_squeeze %dma_start3A_64 : memref<1x80x128xf32, #tpu.memory_space<vmem>> -> memref<80x128xf32, #tpu.memory_space<vmem>>
      %dma_start3A_66 = arith.constant 0 : i32
      %dma_start3A_67 = tpu.memref_slice %arg8[%add3A_25, %dma_start3A_66] : memref<10240x128xf32, #tpu.memory_space<vmem_shared>> -> memref<80x128xf32, #tpu.memory_space<vmem_shared>>
      %dma_start3A_68 = arith.constant 0 : i32
      %dma_start3A_69 = tpu.memref_slice %arg8[%add3A_25, %dma_start3A_68] : memref<10240x128xf32, #tpu.memory_space<vmem_shared>> -> memref<80x128xf32, #tpu.memory_space<vmem_shared>>
      %dma_start3A_70 = arith.constant 0 : i32
      %dma_start3A_71 = arith.constant 0 : i32
      %dma_start3A_72 = tpu.memref_slice %arg7[%run_scoped3A_26, %dma_start3A_70, %dma_start3A_71] : memref<2x80x128xf32, #tpu.memory_space<vmem>> -> memref<1x80x128xf32, #tpu.memory_space<vmem>>
      %dma_start3A_73 = tpu.memref_squeeze %dma_start3A_72 : memref<1x80x128xf32, #tpu.memory_space<vmem>> -> memref<80x128xf32, #tpu.memory_space<vmem>>
      tpu.enqueue_dma source(%dma_start3A_73 : memref<80x128xf32, #tpu.memory_space<vmem>>) target(%dma_start3A_69 : memref<80x128xf32, #tpu.memory_space<vmem_shared>>) target_semaphore(%run_scoped3A_61 : memref<!tpu.dma_semaphore, #tpu.memory_space<semaphore_mem>>)
      %dma_wait3A = arith.constant 0 : i32
      %dma_wait3A_74 = arith.constant 0 : i32
      %dma_wait3A_75 = tpu.memref_slice %arg7[%run_scoped3A_26, %dma_wait3A, %dma_wait3A_74] : memref<2x80x128xf32, #tpu.memory_space<vmem>> -> memref<1x80x128xf32, #tpu.memory_space<vmem>>
      %dma_wait3A_76 = tpu.memref_squeeze %dma_wait3A_75 : memref<1x80x128xf32, #tpu.memory_space<vmem>> -> memref<80x128xf32, #tpu.memory_space<vmem>>
      %dma_wait3A_77 = arith.constant 0 : i32
      %dma_wait3A_78 = tpu.memref_slice %arg8[%add3A_25, %dma_wait3A_77] : memref<10240x128xf32, #tpu.memory_space<vmem_shared>> -> memref<80x128xf32, #tpu.memory_space<vmem_shared>>
      %dma_wait3A_79 = arith.constant 0 : i32
      %dma_wait3A_80 = tpu.memref_slice %arg8[%add3A_25, %dma_wait3A_79] : memref<10240x128xf32, #tpu.memory_space<vmem_shared>> -> memref<80x128xf32, #tpu.memory_space<vmem_shared>>
      %dma_wait3A_81 = arith.constant 0 : i32
      %dma_wait3A_82 = arith.constant 0 : i32
      %dma_wait3A_83 = tpu.memref_slice %arg7[%run_scoped3A_26, %dma_wait3A_81, %dma_wait3A_82] : memref<2x80x128xf32, #tpu.memory_space<vmem>> -> memref<1x80x128xf32, #tpu.memory_space<vmem>>
      %dma_wait3A_84 = tpu.memref_squeeze %dma_wait3A_83 : memref<1x80x128xf32, #tpu.memory_space<vmem>> -> memref<80x128xf32, #tpu.memory_space<vmem>>
      tpu.wait_dma2 semaphore(%run_scoped3A_61 : memref<!tpu.dma_semaphore, #tpu.memory_space<semaphore_mem>>) src(%dma_wait3A_84 : memref<80x128xf32, #tpu.memory_space<vmem>>) dst(%dma_wait3A_80 : memref<80x128xf32, #tpu.memory_space<vmem_shared>>)
      tpu.yield
    }) : () -> ()
    %add3A_27 = arith.constant 400 : i32
    %add3A_28 = arith.addi %mul3A_13, %add3A_27 : i32
    %run_scoped3A_29 = arith.constant 0 : i32
    "tpu.region"() ({
      %run_scoped3A_61 = tpu.sem_alloc : memref<!tpu.dma_semaphore, #tpu.memory_space<semaphore_mem>>
      %dma_start3A_62 = arith.constant 0 : i32
      %dma_start3A_63 = arith.constant 0 : i32
      %dma_start3A_64 = tpu.memref_slice %arg7[%run_scoped3A_29, %dma_start3A_62, %dma_start3A_63] : memref<2x80x128xf32, #tpu.memory_space<vmem>> -> memref<1x80x128xf32, #tpu.memory_space<vmem>>
      %dma_start3A_65 = tpu.memref_squeeze %dma_start3A_64 : memref<1x80x128xf32, #tpu.memory_space<vmem>> -> memref<80x128xf32, #tpu.memory_space<vmem>>
      %dma_start3A_66 = arith.constant 0 : i32
      %dma_start3A_67 = tpu.memref_slice %arg8[%add3A_28, %dma_start3A_66] : memref<10240x128xf32, #tpu.memory_space<vmem_shared>> -> memref<80x128xf32, #tpu.memory_space<vmem_shared>>
      %dma_start3A_68 = arith.constant 0 : i32
      %dma_start3A_69 = tpu.memref_slice %arg8[%add3A_28, %dma_start3A_68] : memref<10240x128xf32, #tpu.memory_space<vmem_shared>> -> memref<80x128xf32, #tpu.memory_space<vmem_shared>>
      %dma_start3A_70 = arith.constant 0 : i32
      %dma_start3A_71 = arith.constant 0 : i32
      %dma_start3A_72 = tpu.memref_slice %arg7[%run_scoped3A_29, %dma_start3A_70, %dma_start3A_71] : memref<2x80x128xf32, #tpu.memory_space<vmem>> -> memref<1x80x128xf32, #tpu.memory_space<vmem>>
      %dma_start3A_73 = tpu.memref_squeeze %dma_start3A_72 : memref<1x80x128xf32, #tpu.memory_space<vmem>> -> memref<80x128xf32, #tpu.memory_space<vmem>>
      tpu.enqueue_dma source(%dma_start3A_73 : memref<80x128xf32, #tpu.memory_space<vmem>>) target(%dma_start3A_69 : memref<80x128xf32, #tpu.memory_space<vmem_shared>>) target_semaphore(%run_scoped3A_61 : memref<!tpu.dma_semaphore, #tpu.memory_space<semaphore_mem>>)
      %dma_wait3A = arith.constant 0 : i32
      %dma_wait3A_74 = arith.constant 0 : i32
      %dma_wait3A_75 = tpu.memref_slice %arg7[%run_scoped3A_29, %dma_wait3A, %dma_wait3A_74] : memref<2x80x128xf32, #tpu.memory_space<vmem>> -> memref<1x80x128xf32, #tpu.memory_space<vmem>>
      %dma_wait3A_76 = tpu.memref_squeeze %dma_wait3A_75 : memref<1x80x128xf32, #tpu.memory_space<vmem>> -> memref<80x128xf32, #tpu.memory_space<vmem>>
      %dma_wait3A_77 = arith.constant 0 : i32
      %dma_wait3A_78 = tpu.memref_slice %arg8[%add3A_28, %dma_wait3A_77] : memref<10240x128xf32, #tpu.memory_space<vmem_shared>> -> memref<80x128xf32, #tpu.memory_space<vmem_shared>>
      %dma_wait3A_79 = arith.constant 0 : i32
      %dma_wait3A_80 = tpu.memref_slice %arg8[%add3A_28, %dma_wait3A_79] : memref<10240x128xf32, #tpu.memory_space<vmem_shared>> -> memref<80x128xf32, #tpu.memory_space<vmem_shared>>
      %dma_wait3A_81 = arith.constant 0 : i32
      %dma_wait3A_82 = arith.constant 0 : i32
      %dma_wait3A_83 = tpu.memref_slice %arg7[%run_scoped3A_29, %dma_wait3A_81, %dma_wait3A_82] : memref<2x80x128xf32, #tpu.memory_space<vmem>> -> memref<1x80x128xf32, #tpu.memory_space<vmem>>
      %dma_wait3A_84 = tpu.memref_squeeze %dma_wait3A_83 : memref<1x80x128xf32, #tpu.memory_space<vmem>> -> memref<80x128xf32, #tpu.memory_space<vmem>>
      tpu.wait_dma2 semaphore(%run_scoped3A_61 : memref<!tpu.dma_semaphore, #tpu.memory_space<semaphore_mem>>) src(%dma_wait3A_84 : memref<80x128xf32, #tpu.memory_space<vmem>>) dst(%dma_wait3A_80 : memref<80x128xf32, #tpu.memory_space<vmem_shared>>)
      tpu.yield
    }) : () -> ()
    %add3A_30 = arith.constant 480 : i32
    %add3A_31 = arith.addi %mul3A_13, %add3A_30 : i32
    %run_scoped3A_32 = arith.constant 0 : i32
    "tpu.region"() ({
      %run_scoped3A_61 = tpu.sem_alloc : memref<!tpu.dma_semaphore, #tpu.memory_space<semaphore_mem>>
      %dma_start3A_62 = arith.constant 0 : i32
      %dma_start3A_63 = arith.constant 0 : i32
      %dma_start3A_64 = tpu.memref_slice %arg7[%run_scoped3A_32, %dma_start3A_62, %dma_start3A_63] : memref<2x80x128xf32, #tpu.memory_space<vmem>> -> memref<1x80x128xf32, #tpu.memory_space<vmem>>
      %dma_start3A_65 = tpu.memref_squeeze %dma_start3A_64 : memref<1x80x128xf32, #tpu.memory_space<vmem>> -> memref<80x128xf32, #tpu.memory_space<vmem>>
      %dma_start3A_66 = arith.constant 0 : i32
      %dma_start3A_67 = tpu.memref_slice %arg8[%add3A_31, %dma_start3A_66] : memref<10240x128xf32, #tpu.memory_space<vmem_shared>> -> memref<80x128xf32, #tpu.memory_space<vmem_shared>>
      %dma_start3A_68 = arith.constant 0 : i32
      %dma_start3A_69 = tpu.memref_slice %arg8[%add3A_31, %dma_start3A_68] : memref<10240x128xf32, #tpu.memory_space<vmem_shared>> -> memref<80x128xf32, #tpu.memory_space<vmem_shared>>
      %dma_start3A_70 = arith.constant 0 : i32
      %dma_start3A_71 = arith.constant 0 : i32
      %dma_start3A_72 = tpu.memref_slice %arg7[%run_scoped3A_32, %dma_start3A_70, %dma_start3A_71] : memref<2x80x128xf32, #tpu.memory_space<vmem>> -> memref<1x80x128xf32, #tpu.memory_space<vmem>>
      %dma_start3A_73 = tpu.memref_squeeze %dma_start3A_72 : memref<1x80x128xf32, #tpu.memory_space<vmem>> -> memref<80x128xf32, #tpu.memory_space<vmem>>
      tpu.enqueue_dma source(%dma_start3A_73 : memref<80x128xf32, #tpu.memory_space<vmem>>) target(%dma_start3A_69 : memref<80x128xf32, #tpu.memory_space<vmem_shared>>) target_semaphore(%run_scoped3A_61 : memref<!tpu.dma_semaphore, #tpu.memory_space<semaphore_mem>>)
      %dma_wait3A = arith.constant 0 : i32
      %dma_wait3A_74 = arith.constant 0 : i32
      %dma_wait3A_75 = tpu.memref_slice %arg7[%run_scoped3A_32, %dma_wait3A, %dma_wait3A_74] : memref<2x80x128xf32, #tpu.memory_space<vmem>> -> memref<1x80x128xf32, #tpu.memory_space<vmem>>
      %dma_wait3A_76 = tpu.memref_squeeze %dma_wait3A_75 : memref<1x80x128xf32, #tpu.memory_space<vmem>> -> memref<80x128xf32, #tpu.memory_space<vmem>>
      %dma_wait3A_77 = arith.constant 0 : i32
      %dma_wait3A_78 = tpu.memref_slice %arg8[%add3A_31, %dma_wait3A_77] : memref<10240x128xf32, #tpu.memory_space<vmem_shared>> -> memref<80x128xf32, #tpu.memory_space<vmem_shared>>
      %dma_wait3A_79 = arith.constant 0 : i32
      %dma_wait3A_80 = tpu.memref_slice %arg8[%add3A_31, %dma_wait3A_79] : memref<10240x128xf32, #tpu.memory_space<vmem_shared>> -> memref<80x128xf32, #tpu.memory_space<vmem_shared>>
      %dma_wait3A_81 = arith.constant 0 : i32
      %dma_wait3A_82 = arith.constant 0 : i32
      %dma_wait3A_83 = tpu.memref_slice %arg7[%run_scoped3A_32, %dma_wait3A_81, %dma_wait3A_82] : memref<2x80x128xf32, #tpu.memory_space<vmem>> -> memref<1x80x128xf32, #tpu.memory_space<vmem>>
      %dma_wait3A_84 = tpu.memref_squeeze %dma_wait3A_83 : memref<1x80x128xf32, #tpu.memory_space<vmem>> -> memref<80x128xf32, #tpu.memory_space<vmem>>
      tpu.wait_dma2 semaphore(%run_scoped3A_61 : memref<!tpu.dma_semaphore, #tpu.memory_space<semaphore_mem>>) src(%dma_wait3A_84 : memref<80x128xf32, #tpu.memory_space<vmem>>) dst(%dma_wait3A_80 : memref<80x128xf32, #tpu.memory_space<vmem_shared>>)
      tpu.yield
    }) : () -> ()
    %add3A_33 = arith.constant 560 : i32
    %add3A_34 = arith.addi %mul3A_13, %add3A_33 : i32
    %run_scoped3A_35 = arith.constant 0 : i32
    "tpu.region"() ({
      %run_scoped3A_61 = tpu.sem_alloc : memref<!tpu.dma_semaphore, #tpu.memory_space<semaphore_mem>>
      %dma_start3A_62 = arith.constant 0 : i32
      %dma_start3A_63 = arith.constant 0 : i32
      %dma_start3A_64 = tpu.memref_slice %arg7[%run_scoped3A_35, %dma_start3A_62, %dma_start3A_63] : memref<2x80x128xf32, #tpu.memory_space<vmem>> -> memref<1x80x128xf32, #tpu.memory_space<vmem>>
      %dma_start3A_65 = tpu.memref_squeeze %dma_start3A_64 : memref<1x80x128xf32, #tpu.memory_space<vmem>> -> memref<80x128xf32, #tpu.memory_space<vmem>>
      %dma_start3A_66 = arith.constant 0 : i32
      %dma_start3A_67 = tpu.memref_slice %arg8[%add3A_34, %dma_start3A_66] : memref<10240x128xf32, #tpu.memory_space<vmem_shared>> -> memref<80x128xf32, #tpu.memory_space<vmem_shared>>
      %dma_start3A_68 = arith.constant 0 : i32
      %dma_start3A_69 = tpu.memref_slice %arg8[%add3A_34, %dma_start3A_68] : memref<10240x128xf32, #tpu.memory_space<vmem_shared>> -> memref<80x128xf32, #tpu.memory_space<vmem_shared>>
      %dma_start3A_70 = arith.constant 0 : i32
      %dma_start3A_71 = arith.constant 0 : i32
      %dma_start3A_72 = tpu.memref_slice %arg7[%run_scoped3A_35, %dma_start3A_70, %dma_start3A_71] : memref<2x80x128xf32, #tpu.memory_space<vmem>> -> memref<1x80x128xf32, #tpu.memory_space<vmem>>
      %dma_start3A_73 = tpu.memref_squeeze %dma_start3A_72 : memref<1x80x128xf32, #tpu.memory_space<vmem>> -> memref<80x128xf32, #tpu.memory_space<vmem>>
      tpu.enqueue_dma source(%dma_start3A_73 : memref<80x128xf32, #tpu.memory_space<vmem>>) target(%dma_start3A_69 : memref<80x128xf32, #tpu.memory_space<vmem_shared>>) target_semaphore(%run_scoped3A_61 : memref<!tpu.dma_semaphore, #tpu.memory_space<semaphore_mem>>)
      %dma_wait3A = arith.constant 0 : i32
      %dma_wait3A_74 = arith.constant 0 : i32
      %dma_wait3A_75 = tpu.memref_slice %arg7[%run_scoped3A_35, %dma_wait3A, %dma_wait3A_74] : memref<2x80x128xf32, #tpu.memory_space<vmem>> -> memref<1x80x128xf32, #tpu.memory_space<vmem>>
      %dma_wait3A_76 = tpu.memref_squeeze %dma_wait3A_75 : memref<1x80x128xf32, #tpu.memory_space<vmem>> -> memref<80x128xf32, #tpu.memory_space<vmem>>
      %dma_wait3A_77 = arith.constant 0 : i32
      %dma_wait3A_78 = tpu.memref_slice %arg8[%add3A_34, %dma_wait3A_77] : memref<10240x128xf32, #tpu.memory_space<vmem_shared>> -> memref<80x128xf32, #tpu.memory_space<vmem_shared>>
      %dma_wait3A_79 = arith.constant 0 : i32
      %dma_wait3A_80 = tpu.memref_slice %arg8[%add3A_34, %dma_wait3A_79] : memref<10240x128xf32, #tpu.memory_space<vmem_shared>> -> memref<80x128xf32, #tpu.memory_space<vmem_shared>>
      %dma_wait3A_81 = arith.constant 0 : i32
      %dma_wait3A_82 = arith.constant 0 : i32
      %dma_wait3A_83 = tpu.memref_slice %arg7[%run_scoped3A_35, %dma_wait3A_81, %dma_wait3A_82] : memref<2x80x128xf32, #tpu.memory_space<vmem>> -> memref<1x80x128xf32, #tpu.memory_space<vmem>>
      %dma_wait3A_84 = tpu.memref_squeeze %dma_wait3A_83 : memref<1x80x128xf32, #tpu.memory_space<vmem>> -> memref<80x128xf32, #tpu.memory_space<vmem>>
      tpu.wait_dma2 semaphore(%run_scoped3A_61 : memref<!tpu.dma_semaphore, #tpu.memory_space<semaphore_mem>>) src(%dma_wait3A_84 : memref<80x128xf32, #tpu.memory_space<vmem>>) dst(%dma_wait3A_80 : memref<80x128xf32, #tpu.memory_space<vmem_shared>>)
      tpu.yield
    }) : () -> ()
    %barrier3A = arith.constant 0 : index
    tpu.barrier barrier_id(%barrier3A)
    %dma_start3A = arith.constant 0 : i32
    %dma_start3A_36 = arith.constant 0 : i32
    %dma_start3A_37 = arith.constant 0 : i32
    %dma_start3A_38 = arith.constant 0 : i32
    %dma_start3A_39 = arith.constant 0 : i32
    %dma_start3A_40 = tpu.memref_slice %arg7[%dma_start3A_36, %dma_start3A_38, %dma_start3A_39] : memref<2x80x128xf32, #tpu.memory_space<vmem>> -> memref<1x80x128xf32, #tpu.memory_space<vmem>>
    %dma_start3A_41 = tpu.memref_squeeze %dma_start3A_40 : memref<1x80x128xf32, #tpu.memory_space<vmem>> -> memref<80x128xf32, #tpu.memory_space<vmem>>
    %dma_start3A_42 = arith.constant 0 : i32
    %dma_start3A_43 = tpu.memref_slice %arg5[%dma_start3A, %dma_start3A_42] : memref<126x80xi32, #tpu.memory_space<vmem>> -> memref<1x80xi32, #tpu.memory_space<vmem>>
    %dma_start3A_44 = tpu.memref_squeeze %dma_start3A_43 : memref<1x80xi32, #tpu.memory_space<vmem>> -> memref<80xi32, #tpu.memory_space<vmem>>
    %dma_start3A_45 = arith.constant 0 : i32
    %dma_start3A_46 = arith.constant 0 : i32
    %dma_start3A_47 = tpu.memref_slice %arg2[%dma_start3A_45, %dma_start3A_46] : memref<10000x128xf32, #tpu.memory_space<hbm>> -> memref<10000x128xf32, #tpu.memory_space<hbm>>
    %dma_start3A_48 = tpu.memref_slice %arg9[%dma_start3A_37] : memref<2x!tpu.dma_semaphore, #tpu.memory_space<semaphore_mem>> -> memref<1x!tpu.dma_semaphore, #tpu.memory_space<semaphore_mem>>
    %dma_start3A_49 = tpu.memref_squeeze %dma_start3A_48 : memref<1x!tpu.dma_semaphore, #tpu.memory_space<semaphore_mem>> -> memref<!tpu.dma_semaphore, #tpu.memory_space<semaphore_mem>>
    tpu.enqueue_indirect_dma source(%dma_start3A_47 : memref<10000x128xf32, #tpu.memory_space<hbm>>) target(%dma_start3A_41 : memref<80x128xf32, #tpu.memory_space<vmem>>) offsets(%dma_start3A_44 : memref<80xi32, #tpu.memory_space<vmem>>) semaphore(%dma_start3A_49 : memref<!tpu.dma_semaphore, #tpu.memory_space<semaphore_mem>>)
    %eq3A_50 = arith.constant 0 : i32
    %eq3A_51 = arith.cmpi eq, %arg0, %eq3A_50 : i32
    %convert_element_type3A_52 = arith.extui %eq3A_51 : i1 to i32
    %cond3A_53 = arith.constant 0 : i32
    %cond3A_54 = arith.cmpi ne, %convert_element_type3A_52, %cond3A_53 : i32
    scf.if %cond3A_54 {
      %scan3A_61 = arith.constant 0 : i32
      %scan3A_62 = arith.constant 0 : i32
      %scan3A_63 = arith.constant 63 : i32
      %scan3A_64 = arith.addi %scan3A_62, %scan3A_63 : i32
      %scan3A_65 = arith.constant 1 : i32
      %scan3A_66 = scf.for %scan3A_68 = %scan3A_62 to %scan3A_64 step %scan3A_65 iter_args(%scan3A_69 = %scan3A_61) -> (i32)  : i32 {
        %mul3A_70 = arith.constant 2 : i32
        %mul3A_71 = arith.muli %mul3A_70, %scan3A_68 : i32
        %dma_wait3A = arith.constant 0 : i32
        %dma_wait3A_72 = arith.constant 0 : i32
        %dma_wait3A_73 = arith.constant 0 : i32
        %dma_wait3A_74 = arith.constant 0 : i32
        %dma_wait3A_75 = tpu.memref_slice %arg7[%dma_wait3A, %dma_wait3A_73, %dma_wait3A_74] : memref<2x80x128xf32, #tpu.memory_space<vmem>> -> memref<1x80x128xf32, #tpu.memory_space<vmem>>
        %dma_wait3A_76 = tpu.memref_squeeze %dma_wait3A_75 : memref<1x80x128xf32, #tpu.memory_space<vmem>> -> memref<80x128xf32, #tpu.memory_space<vmem>>
        %dma_wait3A_77 = arith.constant 0 : i32
        %dma_wait3A_78 = tpu.memref_slice %arg5[%mul3A_71, %dma_wait3A_77] : memref<126x80xi32, #tpu.memory_space<vmem>> -> memref<1x80xi32, #tpu.memory_space<vmem>>
        %dma_wait3A_79 = tpu.memref_squeeze %dma_wait3A_78 : memref<1x80xi32, #tpu.memory_space<vmem>> -> memref<80xi32, #tpu.memory_space<vmem>>
        %dma_wait3A_80 = arith.constant 0 : i32
        %dma_wait3A_81 = arith.constant 0 : i32
        %dma_wait3A_82 = tpu.memref_slice %arg2[%dma_wait3A_80, %dma_wait3A_81] : memref<10000x128xf32, #tpu.memory_space<hbm>> -> memref<10000x128xf32, #tpu.memory_space<hbm>>
        %dma_wait3A_83 = tpu.memref_slice %arg9[%dma_wait3A_72] : memref<2x!tpu.dma_semaphore, #tpu.memory_space<semaphore_mem>> -> memref<1x!tpu.dma_semaphore, #tpu.memory_space<semaphore_mem>>
        %dma_wait3A_84 = tpu.memref_squeeze %dma_wait3A_83 : memref<1x!tpu.dma_semaphore, #tpu.memory_space<semaphore_mem>> -> memref<!tpu.dma_semaphore, #tpu.memory_space<semaphore_mem>>
        tpu.wait_indirect_dma semaphore(%dma_wait3A_84 : memref<!tpu.dma_semaphore, #tpu.memory_space<semaphore_mem>>) src(%dma_wait3A_82 : memref<10000x128xf32, #tpu.memory_space<hbm>>) dst(%dma_wait3A_76 : memref<80x128xf32, #tpu.memory_space<vmem>>)
        %add3A_85 = arith.constant 1 : i32
        %add3A_86 = arith.addi %mul3A_71, %add3A_85 : i32
        %dma_start3A_87 = arith.constant 1 : i32
        %dma_start3A_88 = arith.constant 1 : i32
        %dma_start3A_89 = arith.constant 0 : i32
        %dma_start3A_90 = arith.constant 0 : i32
        %dma_start3A_91 = tpu.memref_slice %arg7[%dma_start3A_87, %dma_start3A_89, %dma_start3A_90] : memref<2x80x128xf32, #tpu.memory_space<vmem>> -> memref<1x80x128xf32, #tpu.memory_space<vmem>>
        %dma_start3A_92 = tpu.memref_squeeze %dma_start3A_91 : memref<1x80x128xf32, #tpu.memory_space<vmem>> -> memref<80x128xf32, #tpu.memory_space<vmem>>
        %dma_start3A_93 = arith.constant 0 : i32
        %dma_start3A_94 = tpu.memref_slice %arg5[%add3A_86, %dma_start3A_93] : memref<126x80xi32, #tpu.memory_space<vmem>> -> memref<1x80xi32, #tpu.memory_space<vmem>>
        %dma_start3A_95 = tpu.memref_squeeze %dma_start3A_94 : memref<1x80xi32, #tpu.memory_space<vmem>> -> memref<80xi32, #tpu.memory_space<vmem>>
        %dma_start3A_96 = arith.constant 0 : i32
        %dma_start3A_97 = arith.constant 0 : i32
        %dma_start3A_98 = tpu.memref_slice %arg2[%dma_start3A_96, %dma_start3A_97] : memref<10000x128xf32, #tpu.memory_space<hbm>> -> memref<10000x128xf32, #tpu.memory_space<hbm>>
        %dma_start3A_99 = tpu.memref_slice %arg9[%dma_start3A_88] : memref<2x!tpu.dma_semaphore, #tpu.memory_space<semaphore_mem>> -> memref<1x!tpu.dma_semaphore, #tpu.memory_space<semaphore_mem>>
        %dma_start3A_100 = tpu.memref_squeeze %dma_start3A_99 : memref<1x!tpu.dma_semaphore, #tpu.memory_space<semaphore_mem>> -> memref<!tpu.dma_semaphore, #tpu.memory_space<semaphore_mem>>
        tpu.enqueue_indirect_dma source(%dma_start3A_98 : memref<10000x128xf32, #tpu.memory_space<hbm>>) target(%dma_start3A_92 : memref<80x128xf32, #tpu.memory_space<vmem>>) offsets(%dma_start3A_95 : memref<80xi32, #tpu.memory_space<vmem>>) semaphore(%dma_start3A_100 : memref<!tpu.dma_semaphore, #tpu.memory_space<semaphore_mem>>)
        %run_scoped3A_101 = arith.constant 0 : i32
        "tpu.region"() ({
          %run_scoped3A_126 = tpu.sem_alloc : memref<!tpu.dma_semaphore, #tpu.memory_space<semaphore_mem>>
          %dma_start3A_127 = arith.constant 0 : i32
          %dma_start3A_128 = arith.constant 0 : i32
          %dma_start3A_129 = tpu.memref_slice %arg7[%run_scoped3A_101, %dma_start3A_127, %dma_start3A_128] : memref<2x80x128xf32, #tpu.memory_space<vmem>> -> memref<1x80x128xf32, #tpu.memory_space<vmem>>
          %dma_start3A_130 = tpu.memref_squeeze %dma_start3A_129 : memref<1x80x128xf32, #tpu.memory_space<vmem>> -> memref<80x128xf32, #tpu.memory_space<vmem>>
          %dma_start3A_131 = arith.constant 0 : i32
          %dma_start3A_132 = tpu.memref_slice %arg6[%mul3A_71, %dma_start3A_131] : memref<126x80xi32, #tpu.memory_space<vmem>> -> memref<1x80xi32, #tpu.memory_space<vmem>>
          %dma_start3A_133 = tpu.memref_squeeze %dma_start3A_132 : memref<1x80xi32, #tpu.memory_space<vmem>> -> memref<80xi32, #tpu.memory_space<vmem>>
          %dma_start3A_134 = arith.constant 0 : i32
          %dma_start3A_135 = arith.constant 0 : i32
          %dma_start3A_136 = tpu.memref_slice %arg8[%dma_start3A_134, %dma_start3A_135] : memref<10240x128xf32, #tpu.memory_space<vmem_shared>> -> memref<10240x128xf32, #tpu.memory_space<vmem_shared>>
          tpu.enqueue_indirect_dma source(%dma_start3A_130 : memref<80x128xf32, #tpu.memory_space<vmem>>) target(%dma_start3A_136 : memref<10240x128xf32, #tpu.memory_space<vmem_shared>>) offsets(%dma_start3A_133 : memref<80xi32, #tpu.memory_space<vmem>>) semaphore(%run_scoped3A_126 : memref<!tpu.dma_semaphore, #tpu.memory_space<semaphore_mem>>) {add = true}
          %dma_wait3A_137 = arith.constant 0 : i32
          %dma_wait3A_138 = arith.constant 0 : i32
          %dma_wait3A_139 = tpu.memref_slice %arg7[%run_scoped3A_101, %dma_wait3A_137, %dma_wait3A_138] : memref<2x80x128xf32, #tpu.memory_space<vmem>> -> memref<1x80x128xf32, #tpu.memory_space<vmem>>
          %dma_wait3A_140 = tpu.memref_squeeze %dma_wait3A_139 : memref<1x80x128xf32, #tpu.memory_space<vmem>> -> memref<80x128xf32, #tpu.memory_space<vmem>>
          %dma_wait3A_141 = arith.constant 0 : i32
          %dma_wait3A_142 = tpu.memref_slice %arg6[%mul3A_71, %dma_wait3A_141] : memref<126x80xi32, #tpu.memory_space<vmem>> -> memref<1x80xi32, #tpu.memory_space<vmem>>
          %dma_wait3A_143 = tpu.memref_squeeze %dma_wait3A_142 : memref<1x80xi32, #tpu.memory_space<vmem>> -> memref<80xi32, #tpu.memory_space<vmem>>
          %dma_wait3A_144 = arith.constant 0 : i32
          %dma_wait3A_145 = arith.constant 0 : i32
          %dma_wait3A_146 = tpu.memref_slice %arg8[%dma_wait3A_144, %dma_wait3A_145] : memref<10240x128xf32, #tpu.memory_space<vmem_shared>> -> memref<10240x128xf32, #tpu.memory_space<vmem_shared>>
          tpu.wait_indirect_dma semaphore(%run_scoped3A_126 : memref<!tpu.dma_semaphore, #tpu.memory_space<semaphore_mem>>) src(%dma_wait3A_140 : memref<80x128xf32, #tpu.memory_space<vmem>>) dst(%dma_wait3A_146 : memref<10240x128xf32, #tpu.memory_space<vmem_shared>>)
          tpu.yield
        }) : () -> ()
        %add3A_102 = arith.constant 1 : i32
        %add3A_103 = arith.addi %mul3A_71, %add3A_102 : i32
        %dma_wait3A_104 = arith.constant 1 : i32
        %dma_wait3A_105 = arith.constant 1 : i32
        %dma_wait3A_106 = arith.constant 0 : i32
        %dma_wait3A_107 = arith.constant 0 : i32
        %dma_wait3A_108 = tpu.memref_slice %arg7[%dma_wait3A_104, %dma_wait3A_106, %dma_wait3A_107] : memref<2x80x128xf32, #tpu.memory_space<vmem>> -> memref<1x80x128xf32, #tpu.memory_space<vmem>>
        %dma_wait3A_109 = tpu.memref_squeeze %dma_wait3A_108 : memref<1x80x128xf32, #tpu.memory_space<vmem>> -> memref<80x128xf32, #tpu.memory_space<vmem>>
        %dma_wait3A_110 = arith.constant 0 : i32
        %dma_wait3A_111 = tpu.memref_slice %arg5[%add3A_103, %dma_wait3A_110] : memref<126x80xi32, #tpu.memory_space<vmem>> -> memref<1x80xi32, #tpu.memory_space<vmem>>
        %dma_wait3A_112 = tpu.memref_squeeze %dma_wait3A_111 : memref<1x80xi32, #tpu.memory_space<vmem>> -> memref<80xi32, #tpu.memory_space<vmem>>
        %dma_wait3A_113 = arith.constant 0 : i32
        %dma_wait3A_114 = arith.constant 0 : i32
        %dma_wait3A_115 = tpu.memref_slice %arg2[%dma_wait3A_113, %dma_wait3A_114] : memref<10000x128xf32, #tpu.memory_space<hbm>> -> memref<10000x128xf32, #tpu.memory_space<hbm>>
        %dma_wait3A_116 = tpu.memref_slice %arg9[%dma_wait3A_105] : memref<2x!tpu.dma_semaphore, #tpu.memory_space<semaphore_mem>> -> memref<1x!tpu.dma_semaphore, #tpu.memory_space<semaphore_mem>>
        %dma_wait3A_117 = tpu.memref_squeeze %dma_wait3A_116 : memref<1x!tpu.dma_semaphore, #tpu.memory_space<semaphore_mem>> -> memref<!tpu.dma_semaphore, #tpu.memory_space<semaphore_mem>>
        tpu.wait_indirect_dma semaphore(%dma_wait3A_117 : memref<!tpu.dma_semaphore, #tpu.memory_space<semaphore_mem>>) src(%dma_wait3A_115 : memref<10000x128xf32, #tpu.memory_space<hbm>>) dst(%dma_wait3A_109 : memref<80x128xf32, #tpu.memory_space<vmem>>)
        %lt3A = arith.constant 62 : i32
        %lt3A_118 = arith.cmpi slt, %scan3A_68, %lt3A : i32
        %convert_element_type3A_119 = arith.extui %lt3A_118 : i1 to i32
        %cond3A_120 = arith.constant 0 : i32
        %cond3A_121 = arith.cmpi ne, %convert_element_type3A_119, %cond3A_120 : i32
        scf.if %cond3A_121 {
          %add3A_126 = arith.constant 2 : i32
          %add3A_127 = arith.addi %mul3A_71, %add3A_126 : i32
          %dma_start3A_128 = arith.constant 0 : i32
          %dma_start3A_129 = arith.constant 0 : i32
          %dma_start3A_130 = arith.constant 0 : i32
          %dma_start3A_131 = arith.constant 0 : i32
          %dma_start3A_132 = tpu.memref_slice %arg7[%dma_start3A_128, %dma_start3A_130, %dma_start3A_131] : memref<2x80x128xf32, #tpu.memory_space<vmem>> -> memref<1x80x128xf32, #tpu.memory_space<vmem>>
          %dma_start3A_133 = tpu.memref_squeeze %dma_start3A_132 : memref<1x80x128xf32, #tpu.memory_space<vmem>> -> memref<80x128xf32, #tpu.memory_space<vmem>>
          %dma_start3A_134 = arith.constant 0 : i32
          %dma_start3A_135 = tpu.memref_slice %arg5[%add3A_127, %dma_start3A_134] : memref<126x80xi32, #tpu.memory_space<vmem>> -> memref<1x80xi32, #tpu.memory_space<vmem>>
          %dma_start3A_136 = tpu.memref_squeeze %dma_start3A_135 : memref<1x80xi32, #tpu.memory_space<vmem>> -> memref<80xi32, #tpu.memory_space<vmem>>
          %dma_start3A_137 = arith.constant 0 : i32
          %dma_start3A_138 = arith.constant 0 : i32
          %dma_start3A_139 = tpu.memref_slice %arg2[%dma_start3A_137, %dma_start3A_138] : memref<10000x128xf32, #tpu.memory_space<hbm>> -> memref<10000x128xf32, #tpu.memory_space<hbm>>
          %dma_start3A_140 = tpu.memref_slice %arg9[%dma_start3A_129] : memref<2x!tpu.dma_semaphore, #tpu.memory_space<semaphore_mem>> -> memref<1x!tpu.dma_semaphore, #tpu.memory_space<semaphore_mem>>
          %dma_start3A_141 = tpu.memref_squeeze %dma_start3A_140 : memref<1x!tpu.dma_semaphore, #tpu.memory_space<semaphore_mem>> -> memref<!tpu.dma_semaphore, #tpu.memory_space<semaphore_mem>>
          tpu.enqueue_indirect_dma source(%dma_start3A_139 : memref<10000x128xf32, #tpu.memory_space<hbm>>) target(%dma_start3A_133 : memref<80x128xf32, #tpu.memory_space<vmem>>) offsets(%dma_start3A_136 : memref<80xi32, #tpu.memory_space<vmem>>) semaphore(%dma_start3A_141 : memref<!tpu.dma_semaphore, #tpu.memory_space<semaphore_mem>>)
        } else {
        }
        %add3A_122 = arith.constant 1 : i32
        %add3A_123 = arith.addi %mul3A_71, %add3A_122 : i32
        %run_scoped3A_124 = arith.constant 1 : i32
        "tpu.region"() ({
          %run_scoped3A_126 = tpu.sem_alloc : memref<!tpu.dma_semaphore, #tpu.memory_space<semaphore_mem>>
          %dma_start3A_127 = arith.constant 0 : i32
          %dma_start3A_128 = arith.constant 0 : i32
          %dma_start3A_129 = tpu.memref_slice %arg7[%run_scoped3A_124, %dma_start3A_127, %dma_start3A_128] : memref<2x80x128xf32, #tpu.memory_space<vmem>> -> memref<1x80x128xf32, #tpu.memory_space<vmem>>
          %dma_start3A_130 = tpu.memref_squeeze %dma_start3A_129 : memref<1x80x128xf32, #tpu.memory_space<vmem>> -> memref<80x128xf32, #tpu.memory_space<vmem>>
          %dma_start3A_131 = arith.constant 0 : i32
          %dma_start3A_132 = tpu.memref_slice %arg6[%add3A_123, %dma_start3A_131] : memref<126x80xi32, #tpu.memory_space<vmem>> -> memref<1x80xi32, #tpu.memory_space<vmem>>
          %dma_start3A_133 = tpu.memref_squeeze %dma_start3A_132 : memref<1x80xi32, #tpu.memory_space<vmem>> -> memref<80xi32, #tpu.memory_space<vmem>>
          %dma_start3A_134 = arith.constant 0 : i32
          %dma_start3A_135 = arith.constant 0 : i32
          %dma_start3A_136 = tpu.memref_slice %arg8[%dma_start3A_134, %dma_start3A_135] : memref<10240x128xf32, #tpu.memory_space<vmem_shared>> -> memref<10240x128xf32, #tpu.memory_space<vmem_shared>>
          tpu.enqueue_indirect_dma source(%dma_start3A_130 : memref<80x128xf32, #tpu.memory_space<vmem>>) target(%dma_start3A_136 : memref<10240x128xf32, #tpu.memory_space<vmem_shared>>) offsets(%dma_start3A_133 : memref<80xi32, #tpu.memory_space<vmem>>) semaphore(%run_scoped3A_126 : memref<!tpu.dma_semaphore, #tpu.memory_space<semaphore_mem>>) {add = true}
          %dma_wait3A_137 = arith.constant 0 : i32
          %dma_wait3A_138 = arith.constant 0 : i32
          %dma_wait3A_139 = tpu.memref_slice %arg7[%run_scoped3A_124, %dma_wait3A_137, %dma_wait3A_138] : memref<2x80x128xf32, #tpu.memory_space<vmem>> -> memref<1x80x128xf32, #tpu.memory_space<vmem>>
          %dma_wait3A_140 = tpu.memref_squeeze %dma_wait3A_139 : memref<1x80x128xf32, #tpu.memory_space<vmem>> -> memref<80x128xf32, #tpu.memory_space<vmem>>
          %dma_wait3A_141 = arith.constant 0 : i32
          %dma_wait3A_142 = tpu.memref_slice %arg6[%add3A_123, %dma_wait3A_141] : memref<126x80xi32, #tpu.memory_space<vmem>> -> memref<1x80xi32, #tpu.memory_space<vmem>>
          %dma_wait3A_143 = tpu.memref_squeeze %dma_wait3A_142 : memref<1x80xi32, #tpu.memory_space<vmem>> -> memref<80xi32, #tpu.memory_space<vmem>>
          %dma_wait3A_144 = arith.constant 0 : i32
          %dma_wait3A_145 = arith.constant 0 : i32
          %dma_wait3A_146 = tpu.memref_slice %arg8[%dma_wait3A_144, %dma_wait3A_145] : memref<10240x128xf32, #tpu.memory_space<vmem_shared>> -> memref<10240x128xf32, #tpu.memory_space<vmem_shared>>
          tpu.wait_indirect_dma semaphore(%run_scoped3A_126 : memref<!tpu.dma_semaphore, #tpu.memory_space<semaphore_mem>>) src(%dma_wait3A_140 : memref<80x128xf32, #tpu.memory_space<vmem>>) dst(%dma_wait3A_146 : memref<10240x128xf32, #tpu.memory_space<vmem_shared>>)
          tpu.yield
        }) : () -> ()
        %scan3A_125 = arith.constant 0 : i32
        scf.yield %scan3A_125 : i32
      }
      %scan3A_67 = arith.constant 63 : i32
    } else {
    }
    %ne3A_55 = arith.constant 0 : i32
    %ne3A_56 = arith.cmpi ne, %arg0, %ne3A_55 : i32
    %convert_element_type3A_57 = arith.extui %ne3A_56 : i1 to i32
    %cond3A_58 = arith.constant 0 : i32
    %cond3A_59 = arith.cmpi ne, %convert_element_type3A_57, %cond3A_58 : i32
    scf.if %cond3A_59 {
      %scan3A_61 = arith.constant 0 : i32
      %scan3A_62 = arith.constant 0 : i32
      %scan3A_63 = arith.constant 62 : i32
      %scan3A_64 = arith.addi %scan3A_62, %scan3A_63 : i32
      %scan3A_65 = arith.constant 1 : i32
      %scan3A_66 = scf.for %scan3A_68 = %scan3A_62 to %scan3A_64 step %scan3A_65 iter_args(%scan3A_69 = %scan3A_61) -> (i32)  : i32 {
        %mul3A_70 = arith.constant 2 : i32
        %mul3A_71 = arith.muli %mul3A_70, %scan3A_68 : i32
        %dma_wait3A = arith.constant 0 : i32
        %dma_wait3A_72 = arith.constant 0 : i32
        %dma_wait3A_73 = arith.constant 0 : i32
        %dma_wait3A_74 = arith.constant 0 : i32
        %dma_wait3A_75 = tpu.memref_slice %arg7[%dma_wait3A, %dma_wait3A_73, %dma_wait3A_74] : memref<2x80x128xf32, #tpu.memory_space<vmem>> -> memref<1x80x128xf32, #tpu.memory_space<vmem>>
        %dma_wait3A_76 = tpu.memref_squeeze %dma_wait3A_75 : memref<1x80x128xf32, #tpu.memory_space<vmem>> -> memref<80x128xf32, #tpu.memory_space<vmem>>
        %dma_wait3A_77 = arith.constant 0 : i32
        %dma_wait3A_78 = tpu.memref_slice %arg5[%mul3A_71, %dma_wait3A_77] : memref<126x80xi32, #tpu.memory_space<vmem>> -> memref<1x80xi32, #tpu.memory_space<vmem>>
        %dma_wait3A_79 = tpu.memref_squeeze %dma_wait3A_78 : memref<1x80xi32, #tpu.memory_space<vmem>> -> memref<80xi32, #tpu.memory_space<vmem>>
        %dma_wait3A_80 = arith.constant 0 : i32
        %dma_wait3A_81 = arith.constant 0 : i32
        %dma_wait3A_82 = tpu.memref_slice %arg2[%dma_wait3A_80, %dma_wait3A_81] : memref<10000x128xf32, #tpu.memory_space<hbm>> -> memref<10000x128xf32, #tpu.memory_space<hbm>>
        %dma_wait3A_83 = tpu.memref_slice %arg9[%dma_wait3A_72] : memref<2x!tpu.dma_semaphore, #tpu.memory_space<semaphore_mem>> -> memref<1x!tpu.dma_semaphore, #tpu.memory_space<semaphore_mem>>
        %dma_wait3A_84 = tpu.memref_squeeze %dma_wait3A_83 : memref<1x!tpu.dma_semaphore, #tpu.memory_space<semaphore_mem>> -> memref<!tpu.dma_semaphore, #tpu.memory_space<semaphore_mem>>
        tpu.wait_indirect_dma semaphore(%dma_wait3A_84 : memref<!tpu.dma_semaphore, #tpu.memory_space<semaphore_mem>>) src(%dma_wait3A_82 : memref<10000x128xf32, #tpu.memory_space<hbm>>) dst(%dma_wait3A_76 : memref<80x128xf32, #tpu.memory_space<vmem>>)
        %add3A_85 = arith.constant 1 : i32
        %add3A_86 = arith.addi %mul3A_71, %add3A_85 : i32
        %dma_start3A_87 = arith.constant 1 : i32
        %dma_start3A_88 = arith.constant 1 : i32
        %dma_start3A_89 = arith.constant 0 : i32
        %dma_start3A_90 = arith.constant 0 : i32
        %dma_start3A_91 = tpu.memref_slice %arg7[%dma_start3A_87, %dma_start3A_89, %dma_start3A_90] : memref<2x80x128xf32, #tpu.memory_space<vmem>> -> memref<1x80x128xf32, #tpu.memory_space<vmem>>
        %dma_start3A_92 = tpu.memref_squeeze %dma_start3A_91 : memref<1x80x128xf32, #tpu.memory_space<vmem>> -> memref<80x128xf32, #tpu.memory_space<vmem>>
        %dma_start3A_93 = arith.constant 0 : i32
        %dma_start3A_94 = tpu.memref_slice %arg5[%add3A_86, %dma_start3A_93] : memref<126x80xi32, #tpu.memory_space<vmem>> -> memref<1x80xi32, #tpu.memory_space<vmem>>
        %dma_start3A_95 = tpu.memref_squeeze %dma_start3A_94 : memref<1x80xi32, #tpu.memory_space<vmem>> -> memref<80xi32, #tpu.memory_space<vmem>>
        %dma_start3A_96 = arith.constant 0 : i32
        %dma_start3A_97 = arith.constant 0 : i32
        %dma_start3A_98 = tpu.memref_slice %arg2[%dma_start3A_96, %dma_start3A_97] : memref<10000x128xf32, #tpu.memory_space<hbm>> -> memref<10000x128xf32, #tpu.memory_space<hbm>>
        %dma_start3A_99 = tpu.memref_slice %arg9[%dma_start3A_88] : memref<2x!tpu.dma_semaphore, #tpu.memory_space<semaphore_mem>> -> memref<1x!tpu.dma_semaphore, #tpu.memory_space<semaphore_mem>>
        %dma_start3A_100 = tpu.memref_squeeze %dma_start3A_99 : memref<1x!tpu.dma_semaphore, #tpu.memory_space<semaphore_mem>> -> memref<!tpu.dma_semaphore, #tpu.memory_space<semaphore_mem>>
        tpu.enqueue_indirect_dma source(%dma_start3A_98 : memref<10000x128xf32, #tpu.memory_space<hbm>>) target(%dma_start3A_92 : memref<80x128xf32, #tpu.memory_space<vmem>>) offsets(%dma_start3A_95 : memref<80xi32, #tpu.memory_space<vmem>>) semaphore(%dma_start3A_100 : memref<!tpu.dma_semaphore, #tpu.memory_space<semaphore_mem>>)
        %run_scoped3A_101 = arith.constant 0 : i32
        "tpu.region"() ({
          %run_scoped3A_126 = tpu.sem_alloc : memref<!tpu.dma_semaphore, #tpu.memory_space<semaphore_mem>>
          %dma_start3A_127 = arith.constant 0 : i32
          %dma_start3A_128 = arith.constant 0 : i32
          %dma_start3A_129 = tpu.memref_slice %arg7[%run_scoped3A_101, %dma_start3A_127, %dma_start3A_128] : memref<2x80x128xf32, #tpu.memory_space<vmem>> -> memref<1x80x128xf32, #tpu.memory_space<vmem>>
          %dma_start3A_130 = tpu.memref_squeeze %dma_start3A_129 : memref<1x80x128xf32, #tpu.memory_space<vmem>> -> memref<80x128xf32, #tpu.memory_space<vmem>>
          %dma_start3A_131 = arith.constant 0 : i32
          %dma_start3A_132 = tpu.memref_slice %arg6[%mul3A_71, %dma_start3A_131] : memref<126x80xi32, #tpu.memory_space<vmem>> -> memref<1x80xi32, #tpu.memory_space<vmem>>
          %dma_start3A_133 = tpu.memref_squeeze %dma_start3A_132 : memref<1x80xi32, #tpu.memory_space<vmem>> -> memref<80xi32, #tpu.memory_space<vmem>>
          %dma_start3A_134 = arith.constant 0 : i32
          %dma_start3A_135 = arith.constant 0 : i32
          %dma_start3A_136 = tpu.memref_slice %arg8[%dma_start3A_134, %dma_start3A_135] : memref<10240x128xf32, #tpu.memory_space<vmem_shared>> -> memref<10240x128xf32, #tpu.memory_space<vmem_shared>>
          tpu.enqueue_indirect_dma source(%dma_start3A_130 : memref<80x128xf32, #tpu.memory_space<vmem>>) target(%dma_start3A_136 : memref<10240x128xf32, #tpu.memory_space<vmem_shared>>) offsets(%dma_start3A_133 : memref<80xi32, #tpu.memory_space<vmem>>) semaphore(%run_scoped3A_126 : memref<!tpu.dma_semaphore, #tpu.memory_space<semaphore_mem>>) {add = true}
          %dma_wait3A_137 = arith.constant 0 : i32
          %dma_wait3A_138 = arith.constant 0 : i32
          %dma_wait3A_139 = tpu.memref_slice %arg7[%run_scoped3A_101, %dma_wait3A_137, %dma_wait3A_138] : memref<2x80x128xf32, #tpu.memory_space<vmem>> -> memref<1x80x128xf32, #tpu.memory_space<vmem>>
          %dma_wait3A_140 = tpu.memref_squeeze %dma_wait3A_139 : memref<1x80x128xf32, #tpu.memory_space<vmem>> -> memref<80x128xf32, #tpu.memory_space<vmem>>
          %dma_wait3A_141 = arith.constant 0 : i32
          %dma_wait3A_142 = tpu.memref_slice %arg6[%mul3A_71, %dma_wait3A_141] : memref<126x80xi32, #tpu.memory_space<vmem>> -> memref<1x80xi32, #tpu.memory_space<vmem>>
          %dma_wait3A_143 = tpu.memref_squeeze %dma_wait3A_142 : memref<1x80xi32, #tpu.memory_space<vmem>> -> memref<80xi32, #tpu.memory_space<vmem>>
          %dma_wait3A_144 = arith.constant 0 : i32
          %dma_wait3A_145 = arith.constant 0 : i32
          %dma_wait3A_146 = tpu.memref_slice %arg8[%dma_wait3A_144, %dma_wait3A_145] : memref<10240x128xf32, #tpu.memory_space<vmem_shared>> -> memref<10240x128xf32, #tpu.memory_space<vmem_shared>>
          tpu.wait_indirect_dma semaphore(%run_scoped3A_126 : memref<!tpu.dma_semaphore, #tpu.memory_space<semaphore_mem>>) src(%dma_wait3A_140 : memref<80x128xf32, #tpu.memory_space<vmem>>) dst(%dma_wait3A_146 : memref<10240x128xf32, #tpu.memory_space<vmem_shared>>)
          tpu.yield
        }) : () -> ()
        %add3A_102 = arith.constant 1 : i32
        %add3A_103 = arith.addi %mul3A_71, %add3A_102 : i32
        %dma_wait3A_104 = arith.constant 1 : i32
        %dma_wait3A_105 = arith.constant 1 : i32
        %dma_wait3A_106 = arith.constant 0 : i32
        %dma_wait3A_107 = arith.constant 0 : i32
        %dma_wait3A_108 = tpu.memref_slice %arg7[%dma_wait3A_104, %dma_wait3A_106, %dma_wait3A_107] : memref<2x80x128xf32, #tpu.memory_space<vmem>> -> memref<1x80x128xf32, #tpu.memory_space<vmem>>
        %dma_wait3A_109 = tpu.memref_squeeze %dma_wait3A_108 : memref<1x80x128xf32, #tpu.memory_space<vmem>> -> memref<80x128xf32, #tpu.memory_space<vmem>>
        %dma_wait3A_110 = arith.constant 0 : i32
        %dma_wait3A_111 = tpu.memref_slice %arg5[%add3A_103, %dma_wait3A_110] : memref<126x80xi32, #tpu.memory_space<vmem>> -> memref<1x80xi32, #tpu.memory_space<vmem>>
        %dma_wait3A_112 = tpu.memref_squeeze %dma_wait3A_111 : memref<1x80xi32, #tpu.memory_space<vmem>> -> memref<80xi32, #tpu.memory_space<vmem>>
        %dma_wait3A_113 = arith.constant 0 : i32
        %dma_wait3A_114 = arith.constant 0 : i32
        %dma_wait3A_115 = tpu.memref_slice %arg2[%dma_wait3A_113, %dma_wait3A_114] : memref<10000x128xf32, #tpu.memory_space<hbm>> -> memref<10000x128xf32, #tpu.memory_space<hbm>>
        %dma_wait3A_116 = tpu.memref_slice %arg9[%dma_wait3A_105] : memref<2x!tpu.dma_semaphore, #tpu.memory_space<semaphore_mem>> -> memref<1x!tpu.dma_semaphore, #tpu.memory_space<semaphore_mem>>
        %dma_wait3A_117 = tpu.memref_squeeze %dma_wait3A_116 : memref<1x!tpu.dma_semaphore, #tpu.memory_space<semaphore_mem>> -> memref<!tpu.dma_semaphore, #tpu.memory_space<semaphore_mem>>
        tpu.wait_indirect_dma semaphore(%dma_wait3A_117 : memref<!tpu.dma_semaphore, #tpu.memory_space<semaphore_mem>>) src(%dma_wait3A_115 : memref<10000x128xf32, #tpu.memory_space<hbm>>) dst(%dma_wait3A_109 : memref<80x128xf32, #tpu.memory_space<vmem>>)
        %lt3A = arith.constant 61 : i32
        %lt3A_118 = arith.cmpi slt, %scan3A_68, %lt3A : i32
        %convert_element_type3A_119 = arith.extui %lt3A_118 : i1 to i32
        %cond3A_120 = arith.constant 0 : i32
        %cond3A_121 = arith.cmpi ne, %convert_element_type3A_119, %cond3A_120 : i32
        scf.if %cond3A_121 {
          %add3A_126 = arith.constant 2 : i32
          %add3A_127 = arith.addi %mul3A_71, %add3A_126 : i32
          %dma_start3A_128 = arith.constant 0 : i32
          %dma_start3A_129 = arith.constant 0 : i32
          %dma_start3A_130 = arith.constant 0 : i32
          %dma_start3A_131 = arith.constant 0 : i32
          %dma_start3A_132 = tpu.memref_slice %arg7[%dma_start3A_128, %dma_start3A_130, %dma_start3A_131] : memref<2x80x128xf32, #tpu.memory_space<vmem>> -> memref<1x80x128xf32, #tpu.memory_space<vmem>>
          %dma_start3A_133 = tpu.memref_squeeze %dma_start3A_132 : memref<1x80x128xf32, #tpu.memory_space<vmem>> -> memref<80x128xf32, #tpu.memory_space<vmem>>
          %dma_start3A_134 = arith.constant 0 : i32
          %dma_start3A_135 = tpu.memref_slice %arg5[%add3A_127, %dma_start3A_134] : memref<126x80xi32, #tpu.memory_space<vmem>> -> memref<1x80xi32, #tpu.memory_space<vmem>>
          %dma_start3A_136 = tpu.memref_squeeze %dma_start3A_135 : memref<1x80xi32, #tpu.memory_space<vmem>> -> memref<80xi32, #tpu.memory_space<vmem>>
          %dma_start3A_137 = arith.constant 0 : i32
          %dma_start3A_138 = arith.constant 0 : i32
          %dma_start3A_139 = tpu.memref_slice %arg2[%dma_start3A_137, %dma_start3A_138] : memref<10000x128xf32, #tpu.memory_space<hbm>> -> memref<10000x128xf32, #tpu.memory_space<hbm>>
          %dma_start3A_140 = tpu.memref_slice %arg9[%dma_start3A_129] : memref<2x!tpu.dma_semaphore, #tpu.memory_space<semaphore_mem>> -> memref<1x!tpu.dma_semaphore, #tpu.memory_space<semaphore_mem>>
          %dma_start3A_141 = tpu.memref_squeeze %dma_start3A_140 : memref<1x!tpu.dma_semaphore, #tpu.memory_space<semaphore_mem>> -> memref<!tpu.dma_semaphore, #tpu.memory_space<semaphore_mem>>
          tpu.enqueue_indirect_dma source(%dma_start3A_139 : memref<10000x128xf32, #tpu.memory_space<hbm>>) target(%dma_start3A_133 : memref<80x128xf32, #tpu.memory_space<vmem>>) offsets(%dma_start3A_136 : memref<80xi32, #tpu.memory_space<vmem>>) semaphore(%dma_start3A_141 : memref<!tpu.dma_semaphore, #tpu.memory_space<semaphore_mem>>)
        } else {
        }
        %add3A_122 = arith.constant 1 : i32
        %add3A_123 = arith.addi %mul3A_71, %add3A_122 : i32
        %run_scoped3A_124 = arith.constant 1 : i32
        "tpu.region"() ({
          %run_scoped3A_126 = tpu.sem_alloc : memref<!tpu.dma_semaphore, #tpu.memory_space<semaphore_mem>>
          %dma_start3A_127 = arith.constant 0 : i32
          %dma_start3A_128 = arith.constant 0 : i32
          %dma_start3A_129 = tpu.memref_slice %arg7[%run_scoped3A_124, %dma_start3A_127, %dma_start3A_128] : memref<2x80x128xf32, #tpu.memory_space<vmem>> -> memref<1x80x128xf32, #tpu.memory_space<vmem>>
          %dma_start3A_130 = tpu.memref_squeeze %dma_start3A_129 : memref<1x80x128xf32, #tpu.memory_space<vmem>> -> memref<80x128xf32, #tpu.memory_space<vmem>>
          %dma_start3A_131 = arith.constant 0 : i32
          %dma_start3A_132 = tpu.memref_slice %arg6[%add3A_123, %dma_start3A_131] : memref<126x80xi32, #tpu.memory_space<vmem>> -> memref<1x80xi32, #tpu.memory_space<vmem>>
          %dma_start3A_133 = tpu.memref_squeeze %dma_start3A_132 : memref<1x80xi32, #tpu.memory_space<vmem>> -> memref<80xi32, #tpu.memory_space<vmem>>
          %dma_start3A_134 = arith.constant 0 : i32
          %dma_start3A_135 = arith.constant 0 : i32
          %dma_start3A_136 = tpu.memref_slice %arg8[%dma_start3A_134, %dma_start3A_135] : memref<10240x128xf32, #tpu.memory_space<vmem_shared>> -> memref<10240x128xf32, #tpu.memory_space<vmem_shared>>
          tpu.enqueue_indirect_dma source(%dma_start3A_130 : memref<80x128xf32, #tpu.memory_space<vmem>>) target(%dma_start3A_136 : memref<10240x128xf32, #tpu.memory_space<vmem_shared>>) offsets(%dma_start3A_133 : memref<80xi32, #tpu.memory_space<vmem>>) semaphore(%run_scoped3A_126 : memref<!tpu.dma_semaphore, #tpu.memory_space<semaphore_mem>>) {add = true}
          %dma_wait3A_137 = arith.constant 0 : i32
          %dma_wait3A_138 = arith.constant 0 : i32
          %dma_wait3A_139 = tpu.memref_slice %arg7[%run_scoped3A_124, %dma_wait3A_137, %dma_wait3A_138] : memref<2x80x128xf32, #tpu.memory_space<vmem>> -> memref<1x80x128xf32, #tpu.memory_space<vmem>>
          %dma_wait3A_140 = tpu.memref_squeeze %dma_wait3A_139 : memref<1x80x128xf32, #tpu.memory_space<vmem>> -> memref<80x128xf32, #tpu.memory_space<vmem>>
          %dma_wait3A_141 = arith.constant 0 : i32
          %dma_wait3A_142 = tpu.memref_slice %arg6[%add3A_123, %dma_wait3A_141] : memref<126x80xi32, #tpu.memory_space<vmem>> -> memref<1x80xi32, #tpu.memory_space<vmem>>
          %dma_wait3A_143 = tpu.memref_squeeze %dma_wait3A_142 : memref<1x80xi32, #tpu.memory_space<vmem>> -> memref<80xi32, #tpu.memory_space<vmem>>
          %dma_wait3A_144 = arith.constant 0 : i32
          %dma_wait3A_145 = arith.constant 0 : i32
          %dma_wait3A_146 = tpu.memref_slice %arg8[%dma_wait3A_144, %dma_wait3A_145] : memref<10240x128xf32, #tpu.memory_space<vmem_shared>> -> memref<10240x128xf32, #tpu.memory_space<vmem_shared>>
          tpu.wait_indirect_dma semaphore(%run_scoped3A_126 : memref<!tpu.dma_semaphore, #tpu.memory_space<semaphore_mem>>) src(%dma_wait3A_140 : memref<80x128xf32, #tpu.memory_space<vmem>>) dst(%dma_wait3A_146 : memref<10240x128xf32, #tpu.memory_space<vmem_shared>>)
          tpu.yield
        }) : () -> ()
        %scan3A_125 = arith.constant 0 : i32
        scf.yield %scan3A_125 : i32
      }
      %scan3A_67 = arith.constant 62 : i32
    } else {
    }
    %barrier3A_60 = arith.constant 0 : index
    tpu.barrier barrier_id(%barrier3A_60)
    "tpu.region"() ({
      %run_scoped3A_61 = tpu.sem_alloc : memref<!tpu.dma_semaphore, #tpu.memory_space<semaphore_mem>>
      %dma_start3A_62 = arith.constant 0 : i32
      %dma_start3A_63 = tpu.memref_slice %arg4[%arg0, %mul3A_13, %dma_start3A_62] : memref<2x10240x128xf32, #tpu.memory_space<hbm>> -> memref<1x640x128xf32, #tpu.memory_space<hbm>>
      %dma_start3A_64 = tpu.memref_squeeze %dma_start3A_63 : memref<1x640x128xf32, #tpu.memory_space<hbm>> -> memref<640x128xf32, #tpu.memory_space<hbm>>
      %dma_start3A_65 = arith.constant 0 : i32
      %dma_start3A_66 = tpu.memref_slice %arg8[%mul3A_13, %dma_start3A_65] : memref<10240x128xf32, #tpu.memory_space<vmem_shared>> -> memref<640x128xf32, #tpu.memory_space<vmem_shared>>
      tpu.enqueue_dma source(%dma_start3A_66 : memref<640x128xf32, #tpu.memory_space<vmem_shared>>) target(%dma_start3A_64 : memref<640x128xf32, #tpu.memory_space<hbm>>) target_semaphore(%run_scoped3A_61 : memref<!tpu.dma_semaphore, #tpu.memory_space<semaphore_mem>>)
      %dma_wait3A = arith.constant 0 : i32
      %dma_wait3A_67 = tpu.memref_slice %arg4[%arg0, %mul3A_13, %dma_wait3A] : memref<2x10240x128xf32, #tpu.memory_space<hbm>> -> memref<1x640x128xf32, #tpu.memory_space<hbm>>
      %dma_wait3A_68 = tpu.memref_squeeze %dma_wait3A_67 : memref<1x640x128xf32, #tpu.memory_space<hbm>> -> memref<640x128xf32, #tpu.memory_space<hbm>>
      %dma_wait3A_69 = arith.constant 0 : i32
      %dma_wait3A_70 = tpu.memref_slice %arg8[%mul3A_13, %dma_wait3A_69] : memref<10240x128xf32, #tpu.memory_space<vmem_shared>> -> memref<640x128xf32, #tpu.memory_space<vmem_shared>>
      tpu.wait_dma2 semaphore(%run_scoped3A_61 : memref<!tpu.dma_semaphore, #tpu.memory_space<semaphore_mem>>) src(%dma_wait3A_70 : memref<640x128xf32, #tpu.memory_space<vmem_shared>>) dst(%dma_wait3A_68 : memref<640x128xf32, #tpu.memory_space<hbm>>)
      tpu.yield
    }) : () -> ()
    return
  }
}

#map = affine_map<(d0, d1) -> (0, 0, 0)>
#map1 = affine_map<(d0, d1) -> (0, 0)>
module attributes {stable_mosaic.version = 14 : i64} {
  func.func @_hist_body(%arg0: i32, %arg1: i32, %arg2: memref<2x4000x80xi32, #tpu.memory_space<hbm>>, %arg3: memref<2x10240xf32, #tpu.memory_space<hbm>>, %arg4: memref<126x80xi32, #tpu.memory_space<vmem>>, %arg5: memref<10240xf32, #tpu.memory_space<vmem>>, %arg6: memref<16x10240xf32, #tpu.memory_space<vmem_shared>>, %arg7: memref<16x640xf32, #tpu.memory_space<vmem>>, %arg8: memref<640xf32, #tpu.memory_space<vmem>>) attributes {dimension_semantics = [#tpu.dimension_semantics<core_parallel>, #tpu.dimension_semantics<subcore_parallel>], iteration_bounds = array<i64: 2, 16>, scalar_prefetch = 0 : i64, scratch_operands = 5 : i64, tpu.core_type = #tpu.core_type<sc_vector_subcore>, window_params = [{transform_indices = #map}, {transform_indices = #map1}]} {
    %eq3A = arith.constant 0 : i32
    %eq3A_0 = arith.cmpi eq, %arg0, %eq3A : i32
    %convert_element_type3A = arith.extui %eq3A_0 : i1 to i32
    %cond3A = arith.constant 0 : i32
    %cond3A_1 = arith.cmpi ne, %convert_element_type3A, %cond3A : i32
    scf.if %cond3A_1 {
      %mul3A_33 = arith.constant 126 : i32
      %mul3A_34 = arith.muli %arg1, %mul3A_33 : i32
      %run_scoped3A = arith.constant 1 : i32
      "tpu.region"() ({
        %run_scoped3A_35 = tpu.sem_alloc : memref<!tpu.dma_semaphore, #tpu.memory_space<semaphore_mem>>
        %dma_start3A = arith.constant 0 : i32
        %dma_start3A_36 = arith.constant 0 : i32
        %dma_start3A_37 = tpu.memref_slice %arg4[%dma_start3A, %dma_start3A_36] : memref<126x80xi32, #tpu.memory_space<vmem>> -> memref<126x80xi32, #tpu.memory_space<vmem>>
        %dma_start3A_38 = arith.constant 0 : i32
        %dma_start3A_39 = tpu.memref_slice %arg2[%run_scoped3A, %mul3A_34, %dma_start3A_38] : memref<2x4000x80xi32, #tpu.memory_space<hbm>> -> memref<1x126x80xi32, #tpu.memory_space<hbm>>
        %dma_start3A_40 = tpu.memref_squeeze %dma_start3A_39 : memref<1x126x80xi32, #tpu.memory_space<hbm>> -> memref<126x80xi32, #tpu.memory_space<hbm>>
        %dma_start3A_41 = arith.constant 0 : i32
        %dma_start3A_42 = arith.constant 0 : i32
        %dma_start3A_43 = tpu.memref_slice %arg4[%dma_start3A_41, %dma_start3A_42] : memref<126x80xi32, #tpu.memory_space<vmem>> -> memref<126x80xi32, #tpu.memory_space<vmem>>
        %dma_start3A_44 = arith.constant 0 : i32
        %dma_start3A_45 = tpu.memref_slice %arg2[%run_scoped3A, %mul3A_34, %dma_start3A_44] : memref<2x4000x80xi32, #tpu.memory_space<hbm>> -> memref<1x126x80xi32, #tpu.memory_space<hbm>>
        %dma_start3A_46 = tpu.memref_squeeze %dma_start3A_45 : memref<1x126x80xi32, #tpu.memory_space<hbm>> -> memref<126x80xi32, #tpu.memory_space<hbm>>
        tpu.enqueue_dma source(%dma_start3A_46 : memref<126x80xi32, #tpu.memory_space<hbm>>) target(%dma_start3A_43 : memref<126x80xi32, #tpu.memory_space<vmem>>) target_semaphore(%run_scoped3A_35 : memref<!tpu.dma_semaphore, #tpu.memory_space<semaphore_mem>>)
        %dma_wait3A = arith.constant 0 : i32
        %dma_wait3A_47 = arith.constant 0 : i32
        %dma_wait3A_48 = tpu.memref_slice %arg4[%dma_wait3A, %dma_wait3A_47] : memref<126x80xi32, #tpu.memory_space<vmem>> -> memref<126x80xi32, #tpu.memory_space<vmem>>
        %dma_wait3A_49 = arith.constant 0 : i32
        %dma_wait3A_50 = tpu.memref_slice %arg2[%run_scoped3A, %mul3A_34, %dma_wait3A_49] : memref<2x4000x80xi32, #tpu.memory_space<hbm>> -> memref<1x126x80xi32, #tpu.memory_space<hbm>>
        %dma_wait3A_51 = tpu.memref_squeeze %dma_wait3A_50 : memref<1x126x80xi32, #tpu.memory_space<hbm>> -> memref<126x80xi32, #tpu.memory_space<hbm>>
        %dma_wait3A_52 = arith.constant 0 : i32
        %dma_wait3A_53 = arith.constant 0 : i32
        %dma_wait3A_54 = tpu.memref_slice %arg4[%dma_wait3A_52, %dma_wait3A_53] : memref<126x80xi32, #tpu.memory_space<vmem>> -> memref<126x80xi32, #tpu.memory_space<vmem>>
        %dma_wait3A_55 = arith.constant 0 : i32
        %dma_wait3A_56 = tpu.memref_slice %arg2[%run_scoped3A, %mul3A_34, %dma_wait3A_55] : memref<2x4000x80xi32, #tpu.memory_space<hbm>> -> memref<1x126x80xi32, #tpu.memory_space<hbm>>
        %dma_wait3A_57 = tpu.memref_squeeze %dma_wait3A_56 : memref<1x126x80xi32, #tpu.memory_space<hbm>> -> memref<126x80xi32, #tpu.memory_space<hbm>>
        tpu.wait_dma2 semaphore(%run_scoped3A_35 : memref<!tpu.dma_semaphore, #tpu.memory_space<semaphore_mem>>) src(%dma_wait3A_57 : memref<126x80xi32, #tpu.memory_space<hbm>>) dst(%dma_wait3A_54 : memref<126x80xi32, #tpu.memory_space<vmem>>)
        tpu.yield
      }) : () -> ()
    } else {
    }
    %ne3A = arith.constant 0 : i32
    %ne3A_2 = arith.cmpi ne, %arg0, %ne3A : i32
    %convert_element_type3A_3 = arith.extui %ne3A_2 : i1 to i32
    %cond3A_4 = arith.constant 0 : i32
    %cond3A_5 = arith.cmpi ne, %convert_element_type3A_3, %cond3A_4 : i32
    scf.if %cond3A_5 {
      %mul3A_33 = arith.constant 124 : i32
      %mul3A_34 = arith.muli %arg1, %mul3A_33 : i32
      %add3A = arith.constant 2016 : i32
      %add3A_35 = arith.addi %add3A, %mul3A_34 : i32
      %run_scoped3A = arith.constant 1 : i32
      "tpu.region"() ({
        %run_scoped3A_36 = tpu.sem_alloc : memref<!tpu.dma_semaphore, #tpu.memory_space<semaphore_mem>>
        %dma_start3A = arith.constant 0 : i32
        %dma_start3A_37 = arith.constant 0 : i32
        %dma_start3A_38 = tpu.memref_slice %arg4[%dma_start3A, %dma_start3A_37] : memref<126x80xi32, #tpu.memory_space<vmem>> -> memref<124x80xi32, #tpu.memory_space<vmem>>
        %dma_start3A_39 = arith.constant 0 : i32
        %dma_start3A_40 = tpu.memref_slice %arg2[%run_scoped3A, %add3A_35, %dma_start3A_39] : memref<2x4000x80xi32, #tpu.memory_space<hbm>> -> memref<1x124x80xi32, #tpu.memory_space<hbm>>
        %dma_start3A_41 = tpu.memref_squeeze %dma_start3A_40 : memref<1x124x80xi32, #tpu.memory_space<hbm>> -> memref<124x80xi32, #tpu.memory_space<hbm>>
        %dma_start3A_42 = arith.constant 0 : i32
        %dma_start3A_43 = arith.constant 0 : i32
        %dma_start3A_44 = tpu.memref_slice %arg4[%dma_start3A_42, %dma_start3A_43] : memref<126x80xi32, #tpu.memory_space<vmem>> -> memref<124x80xi32, #tpu.memory_space<vmem>>
        %dma_start3A_45 = arith.constant 0 : i32
        %dma_start3A_46 = tpu.memref_slice %arg2[%run_scoped3A, %add3A_35, %dma_start3A_45] : memref<2x4000x80xi32, #tpu.memory_space<hbm>> -> memref<1x124x80xi32, #tpu.memory_space<hbm>>
        %dma_start3A_47 = tpu.memref_squeeze %dma_start3A_46 : memref<1x124x80xi32, #tpu.memory_space<hbm>> -> memref<124x80xi32, #tpu.memory_space<hbm>>
        tpu.enqueue_dma source(%dma_start3A_47 : memref<124x80xi32, #tpu.memory_space<hbm>>) target(%dma_start3A_44 : memref<124x80xi32, #tpu.memory_space<vmem>>) target_semaphore(%run_scoped3A_36 : memref<!tpu.dma_semaphore, #tpu.memory_space<semaphore_mem>>)
        %dma_wait3A = arith.constant 0 : i32
        %dma_wait3A_48 = arith.constant 0 : i32
        %dma_wait3A_49 = tpu.memref_slice %arg4[%dma_wait3A, %dma_wait3A_48] : memref<126x80xi32, #tpu.memory_space<vmem>> -> memref<124x80xi32, #tpu.memory_space<vmem>>
        %dma_wait3A_50 = arith.constant 0 : i32
        %dma_wait3A_51 = tpu.memref_slice %arg2[%run_scoped3A, %add3A_35, %dma_wait3A_50] : memref<2x4000x80xi32, #tpu.memory_space<hbm>> -> memref<1x124x80xi32, #tpu.memory_space<hbm>>
        %dma_wait3A_52 = tpu.memref_squeeze %dma_wait3A_51 : memref<1x124x80xi32, #tpu.memory_space<hbm>> -> memref<124x80xi32, #tpu.memory_space<hbm>>
        %dma_wait3A_53 = arith.constant 0 : i32
        %dma_wait3A_54 = arith.constant 0 : i32
        %dma_wait3A_55 = tpu.memref_slice %arg4[%dma_wait3A_53, %dma_wait3A_54] : memref<126x80xi32, #tpu.memory_space<vmem>> -> memref<124x80xi32, #tpu.memory_space<vmem>>
        %dma_wait3A_56 = arith.constant 0 : i32
        %dma_wait3A_57 = tpu.memref_slice %arg2[%run_scoped3A, %add3A_35, %dma_wait3A_56] : memref<2x4000x80xi32, #tpu.memory_space<hbm>> -> memref<1x124x80xi32, #tpu.memory_space<hbm>>
        %dma_wait3A_58 = tpu.memref_squeeze %dma_wait3A_57 : memref<1x124x80xi32, #tpu.memory_space<hbm>> -> memref<124x80xi32, #tpu.memory_space<hbm>>
        tpu.wait_dma2 semaphore(%run_scoped3A_36 : memref<!tpu.dma_semaphore, #tpu.memory_space<semaphore_mem>>) src(%dma_wait3A_58 : memref<124x80xi32, #tpu.memory_space<hbm>>) dst(%dma_wait3A_55 : memref<124x80xi32, #tpu.memory_space<vmem>>)
        tpu.yield
      }) : () -> ()
    } else {
    }
    %broadcast_in_dim3A = arith.constant 0.000000e+00 : f32
    %broadcast_in_dim3A_6 = vector.broadcast %broadcast_in_dim3A : f32 to vector<16xf32>
    %scan3A = arith.constant 0 : i32
    %scan3A_7 = arith.constant 0 : i32
    %scan3A_8 = arith.constant 640 : i32
    %scan3A_9 = arith.addi %scan3A_7, %scan3A_8 : i32
    %scan3A_10 = arith.constant 1 : i32
    %scan3A_11 = scf.for %scan3A_33 = %scan3A_7 to %scan3A_9 step %scan3A_10 iter_args(%scan3A_34 = %scan3A) -> (i32)  : i32 {
      %mul3A_35 = arith.constant 16 : i32
      %mul3A_36 = arith.muli %scan3A_33, %mul3A_35 : i32
      %swap3A = arith.index_cast %mul3A_36 : i32 to index
      %swap3A_37 = tpu.vector_load %arg5[%swap3A] {strides = array<i32>} : memref<10240xf32, #tpu.memory_space<vmem>>, vector<16xf32>,
      tpu.vector_store %arg5[%swap3A], %broadcast_in_dim3A_6 {strides = array<i32>} : memref<10240xf32, #tpu.memory_space<vmem>>, vector<16xf32>,
      %scan3A_38 = arith.constant 0 : i32
      scf.yield %scan3A_38 : i32
    }
    %scan3A_12 = arith.constant 640 : i32
    %broadcast_in_dim3A_13 = arith.constant 1.000000e+00 : f32
    %broadcast_in_dim3A_14 = vector.broadcast %broadcast_in_dim3A_13 : f32 to vector<16xf32>
    %eq3A_15 = arith.constant 0 : i32
    %eq3A_16 = arith.cmpi eq, %arg0, %eq3A_15 : i32
    %convert_element_type3A_17 = arith.extui %eq3A_16 : i1 to i32
    %cond3A_18 = arith.constant 0 : i32
    %cond3A_19 = arith.cmpi ne, %convert_element_type3A_17, %cond3A_18 : i32
    scf.if %cond3A_19 {
      %scan3A_33 = arith.constant 0 : i32
      %scan3A_34 = arith.constant 0 : i32
      %scan3A_35 = arith.constant 126 : i32
      %scan3A_36 = arith.addi %scan3A_34, %scan3A_35 : i32
      %scan3A_37 = arith.constant 1 : i32
      %scan3A_38 = scf.for %scan3A_40 = %scan3A_34 to %scan3A_36 step %scan3A_37 iter_args(%scan3A_41 = %scan3A_33) -> (i32)  : i32 {
        %get3A = arith.index_cast %scan3A_40 : i32 to index
        %get3A_42 = arith.constant 0 : index
        %get3A_43 = tpu.vector_load %arg4[%get3A, %get3A_42] {strides = array<i32>} : memref<126x80xi32, #tpu.memory_space<vmem>>, vector<16xi32>,
        tpu.vector_store_idx %arg5[%get3A_43], %broadcast_in_dim3A_14 {add = true} : memref<10240xf32, #tpu.memory_space<vmem>>[vector<16xi32>], vector<16xf32>,
        %get3A_44 = arith.index_cast %scan3A_40 : i32 to index
        %get3A_45 = arith.constant 16 : index
        %get3A_46 = tpu.vector_load %arg4[%get3A_44, %get3A_45] {strides = array<i32>} : memref<126x80xi32, #tpu.memory_space<vmem>>, vector<16xi32>,
        tpu.vector_store_idx %arg5[%get3A_46], %broadcast_in_dim3A_14 {add = true} : memref<10240xf32, #tpu.memory_space<vmem>>[vector<16xi32>], vector<16xf32>,
        %get3A_47 = arith.index_cast %scan3A_40 : i32 to index
        %get3A_48 = arith.constant 32 : index
        %get3A_49 = tpu.vector_load %arg4[%get3A_47, %get3A_48] {strides = array<i32>} : memref<126x80xi32, #tpu.memory_space<vmem>>, vector<16xi32>,
        tpu.vector_store_idx %arg5[%get3A_49], %broadcast_in_dim3A_14 {add = true} : memref<10240xf32, #tpu.memory_space<vmem>>[vector<16xi32>], vector<16xf32>,
        %get3A_50 = arith.index_cast %scan3A_40 : i32 to index
        %get3A_51 = arith.constant 48 : index
        %get3A_52 = tpu.vector_load %arg4[%get3A_50, %get3A_51] {strides = array<i32>} : memref<126x80xi32, #tpu.memory_space<vmem>>, vector<16xi32>,
        tpu.vector_store_idx %arg5[%get3A_52], %broadcast_in_dim3A_14 {add = true} : memref<10240xf32, #tpu.memory_space<vmem>>[vector<16xi32>], vector<16xf32>,
        %get3A_53 = arith.index_cast %scan3A_40 : i32 to index
        %get3A_54 = arith.constant 64 : index
        %get3A_55 = tpu.vector_load %arg4[%get3A_53, %get3A_54] {strides = array<i32>} : memref<126x80xi32, #tpu.memory_space<vmem>>, vector<16xi32>,
        tpu.vector_store_idx %arg5[%get3A_55], %broadcast_in_dim3A_14 {add = true} : memref<10240xf32, #tpu.memory_space<vmem>>[vector<16xi32>], vector<16xf32>,
        %scan3A_56 = arith.constant 0 : i32
        scf.yield %scan3A_56 : i32
      }
      %scan3A_39 = arith.constant 126 : i32
    } else {
    }
    %ne3A_20 = arith.constant 0 : i32
    %ne3A_21 = arith.cmpi ne, %arg0, %ne3A_20 : i32
    %convert_element_type3A_22 = arith.extui %ne3A_21 : i1 to i32
    %cond3A_23 = arith.constant 0 : i32
    %cond3A_24 = arith.cmpi ne, %convert_element_type3A_22, %cond3A_23 : i32
    scf.if %cond3A_24 {
      %scan3A_33 = arith.constant 0 : i32
      %scan3A_34 = arith.constant 0 : i32
      %scan3A_35 = arith.constant 124 : i32
      %scan3A_36 = arith.addi %scan3A_34, %scan3A_35 : i32
      %scan3A_37 = arith.constant 1 : i32
      %scan3A_38 = scf.for %scan3A_40 = %scan3A_34 to %scan3A_36 step %scan3A_37 iter_args(%scan3A_41 = %scan3A_33) -> (i32)  : i32 {
        %get3A = arith.index_cast %scan3A_40 : i32 to index
        %get3A_42 = arith.constant 0 : index
        %get3A_43 = tpu.vector_load %arg4[%get3A, %get3A_42] {strides = array<i32>} : memref<126x80xi32, #tpu.memory_space<vmem>>, vector<16xi32>,
        tpu.vector_store_idx %arg5[%get3A_43], %broadcast_in_dim3A_14 {add = true} : memref<10240xf32, #tpu.memory_space<vmem>>[vector<16xi32>], vector<16xf32>,
        %get3A_44 = arith.index_cast %scan3A_40 : i32 to index
        %get3A_45 = arith.constant 16 : index
        %get3A_46 = tpu.vector_load %arg4[%get3A_44, %get3A_45] {strides = array<i32>} : memref<126x80xi32, #tpu.memory_space<vmem>>, vector<16xi32>,
        tpu.vector_store_idx %arg5[%get3A_46], %broadcast_in_dim3A_14 {add = true} : memref<10240xf32, #tpu.memory_space<vmem>>[vector<16xi32>], vector<16xf32>,
        %get3A_47 = arith.index_cast %scan3A_40 : i32 to index
        %get3A_48 = arith.constant 32 : index
        %get3A_49 = tpu.vector_load %arg4[%get3A_47, %get3A_48] {strides = array<i32>} : memref<126x80xi32, #tpu.memory_space<vmem>>, vector<16xi32>,
        tpu.vector_store_idx %arg5[%get3A_49], %broadcast_in_dim3A_14 {add = true} : memref<10240xf32, #tpu.memory_space<vmem>>[vector<16xi32>], vector<16xf32>,
        %get3A_50 = arith.index_cast %scan3A_40 : i32 to index
        %get3A_51 = arith.constant 48 : index
        %get3A_52 = tpu.vector_load %arg4[%get3A_50, %get3A_51] {strides = array<i32>} : memref<126x80xi32, #tpu.memory_space<vmem>>, vector<16xi32>,
        tpu.vector_store_idx %arg5[%get3A_52], %broadcast_in_dim3A_14 {add = true} : memref<10240xf32, #tpu.memory_space<vmem>>[vector<16xi32>], vector<16xf32>,
        %get3A_53 = arith.index_cast %scan3A_40 : i32 to index
        %get3A_54 = arith.constant 64 : index
        %get3A_55 = tpu.vector_load %arg4[%get3A_53, %get3A_54] {strides = array<i32>} : memref<126x80xi32, #tpu.memory_space<vmem>>, vector<16xi32>,
        tpu.vector_store_idx %arg5[%get3A_55], %broadcast_in_dim3A_14 {add = true} : memref<10240xf32, #tpu.memory_space<vmem>>[vector<16xi32>], vector<16xf32>,
        %scan3A_56 = arith.constant 0 : i32
        scf.yield %scan3A_56 : i32
      }
      %scan3A_39 = arith.constant 124 : i32
    } else {
    }
    "tpu.region"() ({
      %run_scoped3A = tpu.sem_alloc : memref<!tpu.dma_semaphore, #tpu.memory_space<semaphore_mem>>
      %dma_start3A = arith.constant 0 : i32
      %dma_start3A_33 = tpu.memref_slice %arg6[%arg1, %dma_start3A] : memref<16x10240xf32, #tpu.memory_space<vmem_shared>> -> memref<1x10240xf32, #tpu.memory_space<vmem_shared>>
      %dma_start3A_34 = tpu.memref_squeeze %dma_start3A_33 : memref<1x10240xf32, #tpu.memory_space<vmem_shared>> -> memref<10240xf32, #tpu.memory_space<vmem_shared>>
      %dma_start3A_35 = arith.constant 0 : i32
      %dma_start3A_36 = tpu.memref_slice %arg6[%arg1, %dma_start3A_35] : memref<16x10240xf32, #tpu.memory_space<vmem_shared>> -> memref<1x10240xf32, #tpu.memory_space<vmem_shared>>
      %dma_start3A_37 = tpu.memref_squeeze %dma_start3A_36 : memref<1x10240xf32, #tpu.memory_space<vmem_shared>> -> memref<10240xf32, #tpu.memory_space<vmem_shared>>
      tpu.enqueue_dma source(%arg5 : memref<10240xf32, #tpu.memory_space<vmem>>) target(%dma_start3A_37 : memref<10240xf32, #tpu.memory_space<vmem_shared>>) target_semaphore(%run_scoped3A : memref<!tpu.dma_semaphore, #tpu.memory_space<semaphore_mem>>)
      %dma_wait3A = arith.constant 0 : i32
      %dma_wait3A_38 = tpu.memref_slice %arg6[%arg1, %dma_wait3A] : memref<16x10240xf32, #tpu.memory_space<vmem_shared>> -> memref<1x10240xf32, #tpu.memory_space<vmem_shared>>
      %dma_wait3A_39 = tpu.memref_squeeze %dma_wait3A_38 : memref<1x10240xf32, #tpu.memory_space<vmem_shared>> -> memref<10240xf32, #tpu.memory_space<vmem_shared>>
      %dma_wait3A_40 = arith.constant 0 : i32
      %dma_wait3A_41 = tpu.memref_slice %arg6[%arg1, %dma_wait3A_40] : memref<16x10240xf32, #tpu.memory_space<vmem_shared>> -> memref<1x10240xf32, #tpu.memory_space<vmem_shared>>
      %dma_wait3A_42 = tpu.memref_squeeze %dma_wait3A_41 : memref<1x10240xf32, #tpu.memory_space<vmem_shared>> -> memref<10240xf32, #tpu.memory_space<vmem_shared>>
      tpu.wait_dma2 semaphore(%run_scoped3A : memref<!tpu.dma_semaphore, #tpu.memory_space<semaphore_mem>>) src(%arg5 : memref<10240xf32, #tpu.memory_space<vmem>>) dst(%dma_wait3A_42 : memref<10240xf32, #tpu.memory_space<vmem_shared>>)
      tpu.yield
    }) : () -> ()
    %barrier3A = arith.constant 0 : index
    tpu.barrier barrier_id(%barrier3A)
    %mul3A = arith.constant 640 : i32
    %mul3A_25 = arith.muli %arg1, %mul3A : i32
    "tpu.region"() ({
      %run_scoped3A = tpu.sem_alloc : memref<!tpu.dma_semaphore, #tpu.memory_space<semaphore_mem>>
      %dma_start3A = arith.constant 0 : i32
      %dma_start3A_33 = tpu.memref_slice %arg6[%dma_start3A, %mul3A_25] : memref<16x10240xf32, #tpu.memory_space<vmem_shared>> -> memref<16x640xf32, #tpu.memory_space<vmem_shared>>
      %dma_start3A_34 = arith.constant 0 : i32
      %dma_start3A_35 = tpu.memref_slice %arg6[%dma_start3A_34, %mul3A_25] : memref<16x10240xf32, #tpu.memory_space<vmem_shared>> -> memref<16x640xf32, #tpu.memory_space<vmem_shared>>
      tpu.enqueue_dma source(%dma_start3A_35 : memref<16x640xf32, #tpu.memory_space<vmem_shared>>) target(%arg7 : memref<16x640xf32, #tpu.memory_space<vmem>>) target_semaphore(%run_scoped3A : memref<!tpu.dma_semaphore, #tpu.memory_space<semaphore_mem>>)
      %dma_wait3A = arith.constant 0 : i32
      %dma_wait3A_36 = tpu.memref_slice %arg6[%dma_wait3A, %mul3A_25] : memref<16x10240xf32, #tpu.memory_space<vmem_shared>> -> memref<16x640xf32, #tpu.memory_space<vmem_shared>>
      %dma_wait3A_37 = arith.constant 0 : i32
      %dma_wait3A_38 = tpu.memref_slice %arg6[%dma_wait3A_37, %mul3A_25] : memref<16x10240xf32, #tpu.memory_space<vmem_shared>> -> memref<16x640xf32, #tpu.memory_space<vmem_shared>>
      tpu.wait_dma2 semaphore(%run_scoped3A : memref<!tpu.dma_semaphore, #tpu.memory_space<semaphore_mem>>) src(%dma_wait3A_38 : memref<16x640xf32, #tpu.memory_space<vmem_shared>>) dst(%arg7 : memref<16x640xf32, #tpu.memory_space<vmem>>)
      tpu.yield
    }) : () -> ()
    %scan3A_26 = arith.constant 0 : i32
    %scan3A_27 = arith.constant 0 : i32
    %scan3A_28 = arith.constant 40 : i32
    %scan3A_29 = arith.addi %scan3A_27, %scan3A_28 : i32
    %scan3A_30 = arith.constant 1 : i32
    %scan3A_31 = scf.for %scan3A_33 = %scan3A_27 to %scan3A_29 step %scan3A_30 iter_args(%scan3A_34 = %scan3A_26) -> (i32)  : i32 {
      %mul3A_35 = arith.constant 16 : i32
      %mul3A_36 = arith.muli %scan3A_33, %mul3A_35 : i32
      %get3A = arith.constant 0 : i32
      %get3A_37 = arith.index_cast %get3A : i32 to index
      %get3A_38 = arith.index_cast %mul3A_36 : i32 to index
      %get3A_39 = tpu.vector_load %arg7[%get3A_37, %get3A_38] {strides = array<i32>} : memref<16x640xf32, #tpu.memory_space<vmem>>, vector<16xf32>,
      %mul3A_40 = arith.constant 16 : i32
      %mul3A_41 = arith.muli %scan3A_33, %mul3A_40 : i32
      %get3A_42 = arith.constant 1 : i32
      %get3A_43 = arith.index_cast %get3A_42 : i32 to index
      %get3A_44 = arith.index_cast %mul3A_41 : i32 to index
      %get3A_45 = tpu.vector_load %arg7[%get3A_43, %get3A_44] {strides = array<i32>} : memref<16x640xf32, #tpu.memory_space<vmem>>, vector<16xf32>,
      %add3A = arith.addf %get3A_39, %get3A_45 : vector<16xf32>
      %mul3A_46 = arith.constant 16 : i32
      %mul3A_47 = arith.muli %scan3A_33, %mul3A_46 : i32
      %get3A_48 = arith.constant 2 : i32
      %get3A_49 = arith.index_cast %get3A_48 : i32 to index
      %get3A_50 = arith.index_cast %mul3A_47 : i32 to index
      %get3A_51 = tpu.vector_load %arg7[%get3A_49, %get3A_50] {strides = array<i32>} : memref<16x640xf32, #tpu.memory_space<vmem>>, vector<16xf32>,
      %add3A_52 = arith.addf %add3A, %get3A_51 : vector<16xf32>
      %mul3A_53 = arith.constant 16 : i32
      %mul3A_54 = arith.muli %scan3A_33, %mul3A_53 : i32
      %get3A_55 = arith.constant 3 : i32
      %get3A_56 = arith.index_cast %get3A_55 : i32 to index
      %get3A_57 = arith.index_cast %mul3A_54 : i32 to index
      %get3A_58 = tpu.vector_load %arg7[%get3A_56, %get3A_57] {strides = array<i32>} : memref<16x640xf32, #tpu.memory_space<vmem>>, vector<16xf32>,
      %add3A_59 = arith.addf %add3A_52, %get3A_58 : vector<16xf32>
      %mul3A_60 = arith.constant 16 : i32
      %mul3A_61 = arith.muli %scan3A_33, %mul3A_60 : i32
      %get3A_62 = arith.constant 4 : i32
      %get3A_63 = arith.index_cast %get3A_62 : i32 to index
      %get3A_64 = arith.index_cast %mul3A_61 : i32 to index
      %get3A_65 = tpu.vector_load %arg7[%get3A_63, %get3A_64] {strides = array<i32>} : memref<16x640xf32, #tpu.memory_space<vmem>>, vector<16xf32>,
      %add3A_66 = arith.addf %add3A_59, %get3A_65 : vector<16xf32>
      %mul3A_67 = arith.constant 16 : i32
      %mul3A_68 = arith.muli %scan3A_33, %mul3A_67 : i32
      %get3A_69 = arith.constant 5 : i32
      %get3A_70 = arith.index_cast %get3A_69 : i32 to index
      %get3A_71 = arith.index_cast %mul3A_68 : i32 to index
      %get3A_72 = tpu.vector_load %arg7[%get3A_70, %get3A_71] {strides = array<i32>} : memref<16x640xf32, #tpu.memory_space<vmem>>, vector<16xf32>,
      %add3A_73 = arith.addf %add3A_66, %get3A_72 : vector<16xf32>
      %mul3A_74 = arith.constant 16 : i32
      %mul3A_75 = arith.muli %scan3A_33, %mul3A_74 : i32
      %get3A_76 = arith.constant 6 : i32
      %get3A_77 = arith.index_cast %get3A_76 : i32 to index
      %get3A_78 = arith.index_cast %mul3A_75 : i32 to index
      %get3A_79 = tpu.vector_load %arg7[%get3A_77, %get3A_78] {strides = array<i32>} : memref<16x640xf32, #tpu.memory_space<vmem>>, vector<16xf32>,
      %add3A_80 = arith.addf %add3A_73, %get3A_79 : vector<16xf32>
      %mul3A_81 = arith.constant 16 : i32
      %mul3A_82 = arith.muli %scan3A_33, %mul3A_81 : i32
      %get3A_83 = arith.constant 7 : i32
      %get3A_84 = arith.index_cast %get3A_83 : i32 to index
      %get3A_85 = arith.index_cast %mul3A_82 : i32 to index
      %get3A_86 = tpu.vector_load %arg7[%get3A_84, %get3A_85] {strides = array<i32>} : memref<16x640xf32, #tpu.memory_space<vmem>>, vector<16xf32>,
      %add3A_87 = arith.addf %add3A_80, %get3A_86 : vector<16xf32>
      %mul3A_88 = arith.constant 16 : i32
      %mul3A_89 = arith.muli %scan3A_33, %mul3A_88 : i32
      %get3A_90 = arith.constant 8 : i32
      %get3A_91 = arith.index_cast %get3A_90 : i32 to index
      %get3A_92 = arith.index_cast %mul3A_89 : i32 to index
      %get3A_93 = tpu.vector_load %arg7[%get3A_91, %get3A_92] {strides = array<i32>} : memref<16x640xf32, #tpu.memory_space<vmem>>, vector<16xf32>,
      %add3A_94 = arith.addf %add3A_87, %get3A_93 : vector<16xf32>
      %mul3A_95 = arith.constant 16 : i32
      %mul3A_96 = arith.muli %scan3A_33, %mul3A_95 : i32
      %get3A_97 = arith.constant 9 : i32
      %get3A_98 = arith.index_cast %get3A_97 : i32 to index
      %get3A_99 = arith.index_cast %mul3A_96 : i32 to index
      %get3A_100 = tpu.vector_load %arg7[%get3A_98, %get3A_99] {strides = array<i32>} : memref<16x640xf32, #tpu.memory_space<vmem>>, vector<16xf32>,
      %add3A_101 = arith.addf %add3A_94, %get3A_100 : vector<16xf32>
      %mul3A_102 = arith.constant 16 : i32
      %mul3A_103 = arith.muli %scan3A_33, %mul3A_102 : i32
      %get3A_104 = arith.constant 10 : i32
      %get3A_105 = arith.index_cast %get3A_104 : i32 to index
      %get3A_106 = arith.index_cast %mul3A_103 : i32 to index
      %get3A_107 = tpu.vector_load %arg7[%get3A_105, %get3A_106] {strides = array<i32>} : memref<16x640xf32, #tpu.memory_space<vmem>>, vector<16xf32>,
      %add3A_108 = arith.addf %add3A_101, %get3A_107 : vector<16xf32>
      %mul3A_109 = arith.constant 16 : i32
      %mul3A_110 = arith.muli %scan3A_33, %mul3A_109 : i32
      %get3A_111 = arith.constant 11 : i32
      %get3A_112 = arith.index_cast %get3A_111 : i32 to index
      %get3A_113 = arith.index_cast %mul3A_110 : i32 to index
      %get3A_114 = tpu.vector_load %arg7[%get3A_112, %get3A_113] {strides = array<i32>} : memref<16x640xf32, #tpu.memory_space<vmem>>, vector<16xf32>,
      %add3A_115 = arith.addf %add3A_108, %get3A_114 : vector<16xf32>
      %mul3A_116 = arith.constant 16 : i32
      %mul3A_117 = arith.muli %scan3A_33, %mul3A_116 : i32
      %get3A_118 = arith.constant 12 : i32
      %get3A_119 = arith.index_cast %get3A_118 : i32 to index
      %get3A_120 = arith.index_cast %mul3A_117 : i32 to index
      %get3A_121 = tpu.vector_load %arg7[%get3A_119, %get3A_120] {strides = array<i32>} : memref<16x640xf32, #tpu.memory_space<vmem>>, vector<16xf32>,
      %add3A_122 = arith.addf %add3A_115, %get3A_121 : vector<16xf32>
      %mul3A_123 = arith.constant 16 : i32
      %mul3A_124 = arith.muli %scan3A_33, %mul3A_123 : i32
      %get3A_125 = arith.constant 13 : i32
      %get3A_126 = arith.index_cast %get3A_125 : i32 to index
      %get3A_127 = arith.index_cast %mul3A_124 : i32 to index
      %get3A_128 = tpu.vector_load %arg7[%get3A_126, %get3A_127] {strides = array<i32>} : memref<16x640xf32, #tpu.memory_space<vmem>>, vector<16xf32>,
      %add3A_129 = arith.addf %add3A_122, %get3A_128 : vector<16xf32>
      %mul3A_130 = arith.constant 16 : i32
      %mul3A_131 = arith.muli %scan3A_33, %mul3A_130 : i32
      %get3A_132 = arith.constant 14 : i32
      %get3A_133 = arith.index_cast %get3A_132 : i32 to index
      %get3A_134 = arith.index_cast %mul3A_131 : i32 to index
      %get3A_135 = tpu.vector_load %arg7[%get3A_133, %get3A_134] {strides = array<i32>} : memref<16x640xf32, #tpu.memory_space<vmem>>, vector<16xf32>,
      %add3A_136 = arith.addf %add3A_129, %get3A_135 : vector<16xf32>
      %mul3A_137 = arith.constant 16 : i32
      %mul3A_138 = arith.muli %scan3A_33, %mul3A_137 : i32
      %get3A_139 = arith.constant 15 : i32
      %get3A_140 = arith.index_cast %get3A_139 : i32 to index
      %get3A_141 = arith.index_cast %mul3A_138 : i32 to index
      %get3A_142 = tpu.vector_load %arg7[%get3A_140, %get3A_141] {strides = array<i32>} : memref<16x640xf32, #tpu.memory_space<vmem>>, vector<16xf32>,
      %add3A_143 = arith.addf %add3A_136, %get3A_142 : vector<16xf32>
      %mul3A_144 = arith.constant 16 : i32
      %mul3A_145 = arith.muli %scan3A_33, %mul3A_144 : i32
      %swap3A = arith.index_cast %mul3A_145 : i32 to index
      %swap3A_146 = tpu.vector_load %arg8[%swap3A] {strides = array<i32>} : memref<640xf32, #tpu.memory_space<vmem>>, vector<16xf32>,
      tpu.vector_store %arg8[%swap3A], %add3A_143 {strides = array<i32>} : memref<640xf32, #tpu.memory_space<vmem>>, vector<16xf32>,
      %scan3A_147 = arith.constant 0 : i32
      scf.yield %scan3A_147 : i32
    }
    %scan3A_32 = arith.constant 40 : i32
    "tpu.region"() ({
      %run_scoped3A = tpu.sem_alloc : memref<!tpu.dma_semaphore, #tpu.memory_space<semaphore_mem>>
      %dma_start3A = tpu.memref_slice %arg3[%arg0, %mul3A_25] : memref<2x10240xf32, #tpu.memory_space<hbm>> -> memref<1x640xf32, #tpu.memory_space<hbm>>
      %dma_start3A_33 = tpu.memref_squeeze %dma_start3A : memref<1x640xf32, #tpu.memory_space<hbm>> -> memref<640xf32, #tpu.memory_space<hbm>>
      %dma_start3A_34 = tpu.memref_slice %arg3[%arg0, %mul3A_25] : memref<2x10240xf32, #tpu.memory_space<hbm>> -> memref<1x640xf32, #tpu.memory_space<hbm>>
      %dma_start3A_35 = tpu.memref_squeeze %dma_start3A_34 : memref<1x640xf32, #tpu.memory_space<hbm>> -> memref<640xf32, #tpu.memory_space<hbm>>
      tpu.enqueue_dma source(%arg8 : memref<640xf32, #tpu.memory_space<vmem>>) target(%dma_start3A_35 : memref<640xf32, #tpu.memory_space<hbm>>) target_semaphore(%run_scoped3A : memref<!tpu.dma_semaphore, #tpu.memory_space<semaphore_mem>>)
      %dma_wait3A = tpu.memref_slice %arg3[%arg0, %mul3A_25] : memref<2x10240xf32, #tpu.memory_space<hbm>> -> memref<1x640xf32, #tpu.memory_space<hbm>>
      %dma_wait3A_36 = tpu.memref_squeeze %dma_wait3A : memref<1x640xf32, #tpu.memory_space<hbm>> -> memref<640xf32, #tpu.memory_space<hbm>>
      %dma_wait3A_37 = tpu.memref_slice %arg3[%arg0, %mul3A_25] : memref<2x10240xf32, #tpu.memory_space<hbm>> -> memref<1x640xf32, #tpu.memory_space<hbm>>
      %dma_wait3A_38 = tpu.memref_squeeze %dma_wait3A_37 : memref<1x640xf32, #tpu.memory_space<hbm>> -> memref<640xf32, #tpu.memory_space<hbm>>
      tpu.wait_dma2 semaphore(%run_scoped3A : memref<!tpu.dma_semaphore, #tpu.memory_space<semaphore_mem>>) src(%arg8 : memref<640xf32, #tpu.memory_space<vmem>>) dst(%dma_wait3A_38 : memref<640xf32, #tpu.memory_space<hbm>>)
      tpu.yield
    }) : () -> ()
    return
  }
}

module attributes {stable_mosaic.version = 14 : i64} {
  func.func @_prep_body(%arg0: memref<10000x128xf32, #tpu.memory_space<vmem>>, %arg1: memref<128x128xf32, #tpu.memory_space<vmem>>, %arg2: memref<2x10240xf32, #tpu.memory_space<vmem>>, %arg3: memref<10000x128xf32, #tpu.memory_space<vmem>>, %arg4: memref<10000x1xf32, #tpu.memory_space<vmem>>) attributes {dimension_semantics = [], scalar_prefetch = 0 : i64, scratch_operands = 0 : i64, tpu.core_type = #tpu.core_type<tc>} {
    %get3A = arith.constant 0 : index
    %get3A_0 = arith.constant 0 : index
    %get3A_1 = vector.load %arg2[%get3A, %get3A_0] : memref<2x10240xf32, #tpu.memory_space<vmem>>, vector<1x10240xf32>
    %get3A_2 = vector.shape_cast %get3A_1 : vector<1x10240xf32> to vector<10240xf32>
    %get3A_3 = arith.constant 1 : index
    %get3A_4 = arith.constant 0 : index
    %get3A_5 = vector.load %arg2[%get3A_3, %get3A_4] : memref<2x10240xf32, #tpu.memory_space<vmem>>, vector<1x10240xf32>
    %get3A_6 = vector.shape_cast %get3A_5 : vector<1x10240xf32> to vector<10240xf32>
    %add3A = arith.addf %get3A_2, %get3A_6 : vector<10240xf32>
    %add3A_7 = arith.constant 1.000000e+00 : f32
    %add3A_8 = vector.broadcast %add3A_7 : f32 to vector<10240xf32>
    %add3A_9 = arith.addf %add3A, %add3A_8 : vector<10240xf32>
    %rsqrt3A = math.rsqrt %add3A_9 : vector<10240xf32>
    %slice3A = vector.extract_strided_slice %rsqrt3A {offsets = [0], sizes = [10000], strides = [1]} : vector<10240xf32> to vector<10000xf32>
    %reshape3A = vector.shape_cast %slice3A : vector<10000xf32> to vector<10000x1xf32>
    %swap3A = arith.constant 0 : index
    %swap3A_10 = arith.constant 0 : index
    %swap3A_11 = vector.load %arg4[%swap3A, %swap3A_10] : memref<10000x1xf32, #tpu.memory_space<vmem>>, vector<10000x1xf32>
    tpu.vector_store %arg4[%swap3A, %swap3A_10], %reshape3A {strides = array<i32>} : memref<10000x1xf32, #tpu.memory_space<vmem>>, vector<10000x1xf32>,
    %get3A_12 = arith.constant 0 : index
    %get3A_13 = arith.constant 0 : index
    %get3A_14 = vector.load %arg0[%get3A_12, %get3A_13] : memref<10000x128xf32, #tpu.memory_space<vmem>>, vector<10000x128xf32>
    %get3A_15 = arith.constant 0 : index
    %get3A_16 = arith.constant 0 : index
    %get3A_17 = vector.load %arg1[%get3A_15, %get3A_16] : memref<128x128xf32, #tpu.memory_space<vmem>>, vector<128x128xf32>
    %dot_general3A = arith.constant dense<0.000000e+00> : vector<10000x128xf32>
    %dot_general3A_18 = tpu.matmul %get3A_14, %get3A_17, %dot_general3A {dimension_numbers = #tpu.dot_dimension_numbers<[1], [0], [0], [1], [0, 0, 1, 1], [], []>, transpose_lhs_hint = false} : vector<10000x128xf32>, vector<128x128xf32>, vector<10000x128xf32> -> vector<10000x128xf32>
    %mul3A = vector.broadcast %reshape3A : vector<10000x1xf32> to vector<10000x128xf32>
    %mul3A_19 = arith.mulf %dot_general3A_18, %mul3A : vector<10000x128xf32>
    %swap3A_20 = arith.constant 0 : index
    %swap3A_21 = arith.constant 0 : index
    %swap3A_22 = vector.load %arg3[%swap3A_20, %swap3A_21] : memref<10000x128xf32, #tpu.memory_space<vmem>>, vector<10000x128xf32>
    tpu.vector_store %arg3[%swap3A_20, %swap3A_21], %mul3A_19 {strides = array<i32>} : memref<10000x128xf32, #tpu.memory_space<vmem>>, vector<10000x128xf32>,
    return
  }
}

module attributes {stable_mosaic.version = 14 : i64} {
  func.func @_final_body(%arg0: memref<2x10240x128xf32, #tpu.memory_space<vmem>>, %arg1: memref<10000x128xf32, #tpu.memory_space<vmem>>, %arg2: memref<10000x1xf32, #tpu.memory_space<vmem>>, %arg3: memref<10000x128xf32, #tpu.memory_space<vmem>>, %arg4: memref<1x128xf32, #tpu.memory_space<vmem>>, %arg5: memref<128x32xf32, #tpu.memory_space<vmem>>, %arg6: memref<1x32xf32, #tpu.memory_space<vmem>>, %arg7: memref<32x32xf32, #tpu.memory_space<vmem>>, %arg8: memref<1x32xf32, #tpu.memory_space<vmem>>, %arg9: memref<1x32xf32, #tpu.memory_space<vmem>>, %arg10: memref<1x1xf32, #tpu.memory_space<vmem>>, %arg11: memref<10000x1xf32, #tpu.memory_space<vmem>>) attributes {dimension_semantics = [], scalar_prefetch = 0 : i64, scratch_operands = 0 : i64, tpu.core_type = #tpu.core_type<tc>} {
    %get3A = arith.constant 0 : index
    %get3A_0 = arith.constant 0 : index
    %get3A_1 = arith.constant 0 : index
    %get3A_2 = vector.load %arg0[%get3A, %get3A_0, %get3A_1] : memref<2x10240x128xf32, #tpu.memory_space<vmem>>, vector<1x10000x128xf32>
    %get3A_3 = vector.shape_cast %get3A_2 : vector<1x10000x128xf32> to vector<10000x128xf32>
    %get3A_4 = arith.constant 1 : index
    %get3A_5 = arith.constant 0 : index
    %get3A_6 = arith.constant 0 : index
    %get3A_7 = vector.load %arg0[%get3A_4, %get3A_5, %get3A_6] : memref<2x10240x128xf32, #tpu.memory_space<vmem>>, vector<1x10000x128xf32>
    %get3A_8 = vector.shape_cast %get3A_7 : vector<1x10000x128xf32> to vector<10000x128xf32>
    %add3A = arith.addf %get3A_3, %get3A_8 : vector<10000x128xf32>
    %get3A_9 = arith.constant 0 : index
    %get3A_10 = arith.constant 0 : index
    %get3A_11 = vector.load %arg2[%get3A_9, %get3A_10] : memref<10000x1xf32, #tpu.memory_space<vmem>>, vector<10000x1xf32>
    %get3A_12 = arith.constant 0 : index
    %get3A_13 = arith.constant 0 : index
    %get3A_14 = vector.load %arg1[%get3A_12, %get3A_13] : memref<10000x128xf32, #tpu.memory_space<vmem>>, vector<10000x128xf32>
    %add3A_15 = arith.addf %add3A, %get3A_14 : vector<10000x128xf32>
    %mul3A = vector.broadcast %get3A_11 : vector<10000x1xf32> to vector<10000x128xf32>
    %mul3A_16 = arith.mulf %mul3A, %add3A_15 : vector<10000x128xf32>
    %get3A_17 = arith.constant 0 : index
    %get3A_18 = arith.constant 0 : index
    %get3A_19 = vector.load %arg4[%get3A_17, %get3A_18] : memref<1x128xf32, #tpu.memory_space<vmem>>, vector<1x128xf32>
    %add3A_20 = vector.broadcast %get3A_19 : vector<1x128xf32> to vector<10000x128xf32>
    %add3A_21 = arith.addf %mul3A_16, %add3A_20 : vector<10000x128xf32>
    %max3A = arith.constant 0.000000e+00 : f32
    %max3A_22 = vector.broadcast %max3A : f32 to vector<10000x128xf32>
    %max3A_23 = arith.maximumf %add3A_21, %max3A_22 : vector<10000x128xf32>
    %get3A_24 = arith.constant 0 : index
    %get3A_25 = arith.constant 0 : index
    %get3A_26 = vector.load %arg3[%get3A_24, %get3A_25] : memref<10000x128xf32, #tpu.memory_space<vmem>>, vector<10000x128xf32>
    %add3A_27 = arith.addf %max3A_23, %get3A_26 : vector<10000x128xf32>
    %get3A_28 = arith.constant 0 : index
    %get3A_29 = arith.constant 0 : index
    %get3A_30 = vector.load %arg5[%get3A_28, %get3A_29] : memref<128x32xf32, #tpu.memory_space<vmem>>, vector<128x32xf32>
    %dot_general3A = arith.constant dense<0.000000e+00> : vector<10000x32xf32>
    %dot_general3A_31 = tpu.matmul %add3A_27, %get3A_30, %dot_general3A {dimension_numbers = #tpu.dot_dimension_numbers<[1], [0], [0], [1], [0, 0, 1, 1], [], []>, transpose_lhs_hint = false} : vector<10000x128xf32>, vector<128x32xf32>, vector<10000x32xf32> -> vector<10000x32xf32>
    %get3A_32 = arith.constant 0 : index
    %get3A_33 = arith.constant 0 : index
    %get3A_34 = vector.load %arg6[%get3A_32, %get3A_33] : memref<1x32xf32, #tpu.memory_space<vmem>>, vector<1x32xf32>
    %add3A_35 = vector.broadcast %get3A_34 : vector<1x32xf32> to vector<10000x32xf32>
    %add3A_36 = arith.addf %dot_general3A_31, %add3A_35 : vector<10000x32xf32>
    %ge3A = arith.constant 0.000000e+00 : f32
    %ge3A_37 = vector.broadcast %ge3A : f32 to vector<10000x32xf32>
    %ge3A_38 = arith.cmpf oge, %add3A_36, %ge3A_37 : vector<10000x32xf32>
    %mul3A_39 = arith.constant 0.00999999977 : f32
    %mul3A_40 = vector.broadcast %mul3A_39 : f32 to vector<10000x32xf32>
    %mul3A_41 = arith.mulf %mul3A_40, %add3A_36 : vector<10000x32xf32>
    %select_n3A = arith.select %ge3A_38, %add3A_36, %mul3A_41 : vector<10000x32xi1>, vector<10000x32xf32>
    %get3A_42 = arith.constant 0 : index
    %get3A_43 = arith.constant 0 : index
    %get3A_44 = vector.load %arg7[%get3A_42, %get3A_43] : memref<32x32xf32, #tpu.memory_space<vmem>>, vector<32x32xf32>
    %dot_general3A_45 = arith.constant dense<0.000000e+00> : vector<10000x32xf32>
    %dot_general3A_46 = tpu.matmul %select_n3A, %get3A_44, %dot_general3A_45 {dimension_numbers = #tpu.dot_dimension_numbers<[1], [0], [0], [1], [0, 0, 1, 1], [], []>, transpose_lhs_hint = false} : vector<10000x32xf32>, vector<32x32xf32>, vector<10000x32xf32> -> vector<10000x32xf32>
    %get3A_47 = arith.constant 0 : index
    %get3A_48 = arith.constant 0 : index
    %get3A_49 = vector.load %arg8[%get3A_47, %get3A_48] : memref<1x32xf32, #tpu.memory_space<vmem>>, vector<1x32xf32>
    %add3A_50 = vector.broadcast %get3A_49 : vector<1x32xf32> to vector<10000x32xf32>
    %add3A_51 = arith.addf %dot_general3A_46, %add3A_50 : vector<10000x32xf32>
    %ge3A_52 = arith.constant 0.000000e+00 : f32
    %ge3A_53 = vector.broadcast %ge3A_52 : f32 to vector<10000x32xf32>
    %ge3A_54 = arith.cmpf oge, %add3A_51, %ge3A_53 : vector<10000x32xf32>
    %mul3A_55 = arith.constant 0.00999999977 : f32
    %mul3A_56 = vector.broadcast %mul3A_55 : f32 to vector<10000x32xf32>
    %mul3A_57 = arith.mulf %mul3A_56, %add3A_51 : vector<10000x32xf32>
    %select_n3A_58 = arith.select %ge3A_54, %add3A_51, %mul3A_57 : vector<10000x32xi1>, vector<10000x32xf32>
    %get3A_59 = arith.constant 0 : index
    %get3A_60 = arith.constant 0 : index
    %get3A_61 = vector.load %arg9[%get3A_59, %get3A_60] : memref<1x32xf32, #tpu.memory_space<vmem>>, vector<1x32xf32>
    %mul3A_62 = vector.broadcast %get3A_61 : vector<1x32xf32> to vector<10000x32xf32>
    %mul3A_63 = arith.mulf %select_n3A_58, %mul3A_62 : vector<10000x32xf32>
    %reduce_sum3A = arith.constant dense<0.000000e+00> : vector<10000xf32>
    %reduce_sum3A_64 = vector.multi_reduction <add>, %mul3A_63, %reduce_sum3A [1] : vector<10000x32xf32> to vector<10000xf32>
    %broadcast_in_dim3A = vector.shape_cast %reduce_sum3A_64 : vector<10000xf32> to vector<10000x1xf32>
    %get3A_65 = arith.constant 0 : index
    %get3A_66 = arith.constant 0 : index
    %get3A_67 = vector.load %arg10[%get3A_65, %get3A_66] : memref<1x1xf32, #tpu.memory_space<vmem>>, vector<1x1xf32>
    %add3A_68 = vector.broadcast %get3A_67 : vector<1x1xf32> to vector<10000x1xf32>
    %add3A_69 = arith.addf %broadcast_in_dim3A, %add3A_68 : vector<10000x1xf32>
    %max3A_70 = arith.constant 0.000000e+00 : f32
    %max3A_71 = vector.broadcast %max3A_70 : f32 to vector<10000x1xf32>
    %max3A_72 = arith.maximumf %add3A_69, %max3A_71 : vector<10000x1xf32>
    %abs3A = math.absf %add3A_69 : vector<10000x1xf32>
    %neg3A = arith.constant 0.000000e+00 : f32
    %neg3A_73 = vector.broadcast %neg3A : f32 to vector<10000x1xf32>
    %neg3A_74 = arith.subf %neg3A_73, %abs3A : vector<10000x1xf32>
    %exp3A = math.exp %neg3A_74 : vector<10000x1xf32>
    %log1p3A = math.log1p %exp3A : vector<10000x1xf32>
    %add3A_75 = arith.addf %max3A_72, %log1p3A : vector<10000x1xf32>
    %reduce_sum3A_76 = vector.shape_cast %add3A_75 : vector<10000x1xf32> to vector<1x10000x1xf32>
    %reduce_sum3A_77 = arith.constant dense<0.000000e+00> : vector<1xf32>
    %reduce_sum3A_78 = vector.multi_reduction <add>, %reduce_sum3A_76, %reduce_sum3A_77 [1, 2] : vector<1x10000x1xf32> to vector<1xf32>
    %reduce_sum3A_79 = vector.shape_cast %reduce_sum3A_78 : vector<1xf32> to vector<1x1x1xf32>
    %reduce_sum3A_80 = vector.extract %reduce_sum3A_79[0, 0, 0] : f32 from vector<1x1x1xf32>
    %add3A_81 = arith.constant 9.99999968E-21 : f32
    %add3A_82 = arith.addf %reduce_sum3A_80, %add3A_81 : f32
    %div3A = vector.broadcast %add3A_82 : f32 to vector<10000x1xf32>
    %div3A_83 = arith.divf %add3A_75, %div3A : vector<10000x1xf32>
    %swap3A = arith.constant 0 : index
    %swap3A_84 = arith.constant 0 : index
    %swap3A_85 = vector.load %arg11[%swap3A, %swap3A_84] : memref<10000x1xf32, #tpu.memory_space<vmem>>, vector<10000x1xf32>
    tpu.vector_store %arg11[%swap3A, %swap3A_84], %div3A_83 {strides = array<i32>} : memref<10000x1xf32, #tpu.memory_space<vmem>>, vector<10000x1xf32>,
    return
  }
}

</mosaic_0001>

<sc_bundles>
// kernel: kernel.6.cloned.1.call-start
scs
__scs_entry_jumppad:
0x0: {  	(pc) =	sbr.rel $0x88, $3  }
0x1: {  	(tag) =	ssettag $0x0;
	lr =	simm.s32 $0x1  }
0x2: {  	[smem:$0x3F97] =	sst lr;
	_ =	strace $0xD0000000  }
0x3: {  	_ = 	snop  }
0x4: {  	_ = 	snop  }
0x5: {  	_ = 	snop  }
0x6: {  	_ = 	snop  }
0x7: {  	_ = 	snop  }
__scs_overlays_trampoline_lowered:
0x8: {  	[smem:$0x3FA6] =	sst s0  }
0x9: {  	[smem:$0x3FA7] =	sst s1  }
0xa: {  	[smem:$0x3FA8] =	sst s2  }
0xb: {  	[smem:$0x3FA9] =	sst s3  }
0xc: {  	[smem:$0x3FAA] =	sst s4  }
0xd: {  	[smem:$0x3FAB] =	sst s5  }
0xe: {  	[smem:$0x3FAC] =	sst s6  }
0xf: {  	[smem:$0x3FAD] =	sst s7  }
0x10: {  	[smem:$0x3FAE] =	sst s8  }
0x11: {  	[smem:$0x3FAF] =	sst s9;
	s0 =	simm.s32 @!p0 $0x0  }
0x12: {  	s1 =	sld [smem:$0x3F95];
	s0 =	simm.s32 @p0 $0x1  }
0x13: {  	[smem:$0x3FB0] =	sst s0;
	s0 =	simm.s32 @!p1 $0x0  }
0x14: {  	s2 =	sld [smem:$0x3F94];
	s0 =	simm.s32 @p1 $0x1  }
0x15: {  	[smem:$0x3FB1] =	sst s0;
	s0 =	simm.s32 @!p2 $0x0  }
0x16: {  	s3 =	sld [smem:$0x3FDB];
	s0 =	simm.s32 @p2 $0x1  }
0x17: {  	s4 =	simm.s32 $0x1BF5;
	[smem:$0x3FB3] =	sst s0  }
0x18: {  	s0 =	sld [smem:$0x3F96];
	_ =	swait.ge [sflag:s4], $0x0  }
0x19: {  	s7 =	sld [smem:$0x3F97]  }
0x1a: {  	s8 =	sadd.s32 $0xFFFFE003, lr  }
0x1b: {  	s9 =	sadd.s32 $0xFFFFFEF7, lr;
	s5 =	simm.s32 $0xFFFFFFFF;
	p2 =	slt.u32 s8, $0xFFFFF086  }
0x1c: {  	p1 =	slt.u32 s9, $0xF7A;
	s5 =	simm.s32 @!p2 $0x0  }
0x1d: {  	s5 =	simm.s32 @p1 $0x1;
	p0 =	seq.s32 s7, s2  }
0x1e: {  	s7 =	smul.u32 @!p0 $0xF7A, s2;
	p2 =	seq.s32 @!p0 s5, $0x0  }
0x1f: {  	s9 =	smul.u32 $0xF7A, s1;
	s8 =	simm.s32 @!p0 $0x1BF5;
	p2 =	por !p2, p0  }
0x20: {  	[sflag:s8] =	ssyncset.s32 @!p0 $0xFFFFF086;
	s6 =	sadd.s32 @!p0 s3, s7;
	s7 =	simm.s32 @!p0 $0x108  }
0x21: {  	s3 =	sadd.s32 s3, s9;
	s6 =	sadd.s32 @!p0 $0x88, s6;
	s7 =	simm.s32 @p2 $0x1082  }
0x22: {  	[simem:s7], [sflag:s8] =	dma.local @!p0 [hbm:s6], $0xF7A  }
0x23: {  	s9 =	sor.u32 $0xD0000000, s2;
	s6 =	simm.s32 $0x108;
	_ =	swait.ge @!p0 [sflag:s8], $0x0  }
0x24: {  	s3 =	sadd.s32 $0x88, s3;
	s6 =	simm.s32 @!p1 $0x1082;
	[sflag:s4] =	ssyncset.s32 $0xFFFFF086  }
0x25: {  	[simem:s6], [sflag:s4] =	dma.local [hbm:s3], $0xF7A  }
0x26: {  	[smem:$0x3F97] =	sst s1;
	(tag) =	ssettag s2;
	_ =	strace s9  }
0x27: {  	s1 =	sld [smem:$0x3FA7]  }
0x28: {  	s2 =	sld [smem:$0x3FA8]  }
0x29: {  	s4 =	sld [smem:$0x3FAA]  }
0x2a: {  	p0 =	seq.s32 s5, $0x0;
	s5 =	sld [smem:$0x3FAB]  }
0x2b: {  	s6 =	sld [smem:$0x3FAC]  }
0x2c: {  	s7 =	sld [smem:$0x3FAD]  }
0x2d: {  	s3 =	simm.s32 $0x108;
	s8 =	sld [smem:$0x3FAE]  }
0x2e: {  	s3 =	simm.s32 @!p0 $0x1082;
	s9 =	sld [smem:$0x3FAF]  }
0x2f: {  	lr =	sadd.s32 s0, s3;
	s0 =	sld [smem:$0x3FA6]  }
0x30: {  	s3 =	sld [smem:$0x3FA9]  }
0x31: {  	[smem:$0x3FB2] =	sst s10  }
0x32: {  	s10 =	sld [smem:$0x3FB0];
	_ =	sdelay $0x3  }
0x33: {  	p0 =	seq.s32 s10, $0x1;
	s10 =	sld [smem:$0x3FB2];
	_ =	sdelay $0x3  }
0x34: {  	[smem:$0x3FB2] =	sst s10  }
0x35: {  	s10 =	sld [smem:$0x3FB1];
	_ =	sdelay $0x3  }
0x36: {  	p1 =	seq.s32 s10, $0x1;
	s10 =	sld [smem:$0x3FB2];
	_ =	sdelay $0x3  }
0x37: {  	[smem:$0x3FB2] =	sst s10  }
0x38: {  	s10 =	sld [smem:$0x3FB3]  }
0x39: {  	_ = 	snop;
	(pc) =	sbr.ind lr, $3  }
0x3a: {  	_ = 	snop  }
0x3b: {  	_ = 	snop  }
0x3c: {  	p2 =	seq.s32 s10, $0x1;
	s10 =	sld [smem:$0x3FB2]  }
0x3d: {  	_ =	shalt  }
0x3e: {  	_ =	shalt  }
0x3f: {  	_ =	shalt  }
0x40: {  	_ =	shalt  }
0x41: {  	_ =	shalt  }
0x42: {  	_ =	shalt  }
0x43: {  	_ =	shalt  }
0x44: {  	_ =	shalt  }
0x45: {  	_ =	shalt  }
0x46: {  	_ =	shalt  }
0x47: {  	_ =	shalt  }
0x48: {  	_ =	shalt  }
0x49: {  	_ =	shalt  }
0x4a: {  	_ =	shalt  }
0x4b: {  	_ =	shalt  }
0x4c: {  	_ =	shalt  }
0x4d: {  	_ =	shalt  }
0x4e: {  	_ =	shalt  }
0x4f: {  	_ =	shalt  }
0x50: {  	_ =	shalt  }
0x51: {  	_ =	shalt  }
0x52: {  	_ =	shalt  }
0x53: {  	_ =	shalt  }
0x54: {  	_ =	shalt  }
0x55: {  	_ =	shalt  }
0x56: {  	_ =	shalt  }
0x57: {  	_ =	shalt  }
0x58: {  	_ =	shalt  }
0x59: {  	_ =	shalt  }
0x5a: {  	_ =	shalt  }
0x5b: {  	_ =	shalt  }
0x5c: {  	_ =	shalt  }
0x5d: {  	_ =	shalt  }
0x5e: {  	_ =	shalt  }
0x5f: {  	_ =	shalt  }
0x60: {  	_ =	shalt  }
0x61: {  	_ =	shalt  }
0x62: {  	_ =	shalt  }
0x63: {  	_ =	shalt  }
0x64: {  	_ =	shalt  }
0x65: {  	_ =	shalt  }
0x66: {  	_ =	shalt  }
0x67: {  	_ =	shalt  }
0x68: {  	_ =	shalt  }
0x69: {  	_ =	shalt  }
0x6a: {  	_ =	shalt  }
0x6b: {  	_ =	shalt  }
0x6c: {  	_ =	shalt  }
0x6d: {  	_ =	shalt  }
0x6e: {  	_ =	shalt  }
0x6f: {  	_ =	shalt  }
0x70: {  	_ =	shalt  }
0x71: {  	_ =	shalt  }
0x72: {  	_ =	shalt  }
0x73: {  	_ =	shalt  }
0x74: {  	_ =	shalt  }
0x75: {  	_ =	shalt  }
0x76: {  	_ =	shalt  }
0x77: {  	_ =	shalt  }
0x78: {  	_ =	shalt  }
0x79: {  	_ =	shalt  }
0x7a: {  	_ =	shalt  }
0x7b: {  	_ =	shalt  }
0x7c: {  	_ =	shalt  }
0x7d: {  	_ =	shalt  }
0x7e: {  	_ =	shalt  }
0x7f: {  	_ =	shalt  }
0x80: {  	_ =	shalt  }
0x81: {  	_ =	shalt  }
0x82: {  	_ =	shalt  }
0x83: {  	_ =	shalt  }
0x84: {  	_ =	shalt  }
0x85: {  	_ =	shalt  }
0x86: {  	_ =	shalt  }
0x87: {  	_ =	shalt  }
.Lfunc_end0:
.L_simem_size_0:
called_computation_lowered:
.L_overlay_start_0:
0x88: {  	s2 =	sld [smem:$0x3FD9]  }
0x89: {  	s3 =	sld [smem:$0x3FFE];
	_ =	sdelay $0x1  }
0x8a: {  	s1 =	srdreg.scid  }
0x8b: {  	s0 =	sand.u32 $0x1, s1  }
0x8c: {  	s16 =	sshll.u32 s0, $0xA;
	s2 =	sadd.s32 s3, s2  }
0x8d: {  	s2 =	sadd.s32 s2, s16  }
0x8e: {  	[smem:$0x3FBE] =	sst s2  }
0x8f: {  	_ = 	snop  }
0x90: {  	(tm) =	ssettm $0x1  }
0x91: {  	s17 =	sld [smem:$0x3FFB];
	_ =	sdelay $0x3  }
0x92: {  	_ =	strace s17  }
0x93: {  	s2 =	sld [smem:$0x3FFC];
	_ =	sdelay $0x3  }
0x94: {  	_ =	strace s2  }
0x95: {  	s2 =	sld [smem:$0x3FFD];
	_ =	sdelay $0x3  }
0x96: {  	_ =	strace s2  }
0x97: {  	_ =	strace $0x8FFFFFFF  }
0x98: {  	s18 =	sld [smem:$0x3FDB];
	_ =	sdelay $0x1  }
0x99: {  	s19 =	simm.s32 $_scs_section_size  }
0x9a: {  	s4 =	simm.s32 $_size__tile_overlayer_lowered;
	s5 =	simm.s32 $_tile_overlayer_lowered  }
0x9b: {  	s22 =	simm.s32 $0x1BFF;
	s21 =	sshll.u32 s5, $0x1;
	s2 =	sadd.s32 s19, s18  }
0x9c: {  	s6 =	simm.s32 $0x0;
	s20 =	sshll.u32 s4, $0x1;
	s4 =	sadd.s32 s21, s2  }
0x9d: {  	[timem:s6], [sflag:s22] =	dma.local [hbm:s4], s20  }
0x9e: {  	_ =	swait.ge [sflag:s22], s20  }
0x9f: {  	s3 =	ssub.s32 $0x0, s20;
	[sflag:s22] =	ssyncset.done $0x0  }
0xa0: {  	[sflag:s22] =	ssyncadd.s32 s3;
	_ =	sdelay $0x1  }
0xa1: {  	s23 =	simm.s32 $0x1B8B  }
0xa2: {  	_ =	swait.ge [sflag:s23], $0x1  }
0xa3: {  	[sflag:s23] =	ssyncset.done $0x0  }
0xa4: {  	s25 =	simm.s32 $0x1B8E;
	s24 =	sld [smem:$0x3FFE];
	[sflag:s23] =	ssyncadd.s32 $0xFFFFFFFF  }
0xa5: {  	s26 =	simm.s32 $execute0_lowered;
	[smem:$0x3FD2] =	sst s25  }
0xa6: {  	s4 =	sshll.u32 s26, $0x1;
	_ =	strace $0x80000046;
	[dreg:$0x1] =	wrdreg $0xFFFFFFFF  }
0xa7: {  	s28 =	simm.s32 $_size_execute0_lowered;
	s2 =	sadd.s32 s2, s4;
	[dreg:$0x0] =	wrdreg $0x0  }
0xa8: {  	s4 =	sshll.u32 s28, $0x1;
	[dreg:$0x2] =	wrdreg s2  }
0xa9: {  	[dreg:$0x3] =	wrdreg s4  }
0xaa: {  	[dreg:$0x4] =	wrdreg $0xC0  }
0xab: {  	_ =	task [dreg:s6], $0x5FFFF  }
0xac: {  	[dreg:$0x1] =	wrdreg $0xFFFFFFFF  }
0xad: {  	[dreg:$0x0] =	wrdreg $0x60  }
0xae: {  	[dreg:$0x2] =	wrdreg s24  }
0xaf: {  	[dreg:$0x3] =	wrdreg $0x4F600  }
0xb0: {  	[dreg:$0x4] =	wrdreg $0x9  }
0xb1: {  	_ =	task.clear_ibuf [dreg:s6], $0x5FFFF;
	_ =	strace $0x90000046  }
0xb2: {  	s29 =	simm.s32 $0x9;
	_ =	strace $0x80000048  }
0xb3: {  	_ =	swait.ge [sflag:s29], $0x1  }
0xb4: {  	[sflag:s29] =	ssyncadd.s32 $0xFFFFFFFF  }
0xb5: {  	_ =	strace $0x90000048  }
0xb6: {  	_ =	sfence  }
0xb7: {  	s30 =	sld [smem:$0x0];
	_ =	sdelay $0x2  }
0xb8: {  	s31 =	sshll.u32 s1, $0xD;
	s1 =	sshrl.u32 s1, $0x2  }
0xb9: {  	s3 =	sand.u32 $0x4000, s31;
	s1 =	sadd.s32 s1, s30  }
0xba: {  	s0 =	sor.u32 s3, s0;
	s1 =	sshll.u32 s1, $0x11  }
0xbb: {  	s0 =	sor.u32 s1, s0  }
0xbc: {  	s0 =	sadd.s32 $0x8F2B, s0  }
0xbd: {  	[sflag:s0] =	ssyncadd.remote.s32 $0x1  }
0xbe: {  	_ =	sfence.sel $0xFFFF  }
0xbf: {  	[dreg:$0x0] =	wrdreg $0xFFFFFFFF;
	(pc) =	sbr.abs _section_cstart, $3  }
0xc0: {  	[dreg:$0x1] =	wrdreg $0xFFFFFFFF  }
0xc1: {  	_ =	task.clear_ibuf [dreg:s6], $0x2FFFF;
	_ =	strace $0x9FFFFFFF  }
0xc2: {  	(tm) =	ssettm $0x7FFFFFFF  }
0xc3: {  	_ =	shalt  }
tec
execute0_lowered:
.L_overlay_start_1:
0x0: {  	(tag) =	ssettag $0x1  }
0x1: {  	s3 =	rddreg [dreg:$0x0];
	s1 =	srdreg.scid  }
0x2: {  	s0 =	stileid.u32;
	s6 =	rddreg [dreg:$0x1]  }
0x3: {  	s2 =	simm.s32 $0x0;
	s13 =	simm.s32 $0x7760;
	s7 =	smul.u32 $0x280, s0  }
0x4: {  	s14 =	simm.s32 $0x9F60;
	s15 =	simm.s32 $0x0;
	s5 =	smul.u32 $0x26C0, s0  }
0x5: {  	s9 =	sand.u32 $0x1, s1;
	s1 =	rddreg [dreg:$0x2];
	s10 =	smul.u32 $0x2760, s0  }
0x6: {  	[smem:$0x7FF] =	sst s2;
	s11 =	sadd.s32 $0x2000, s3;
	s28 =	smul.u32 $0xA000, s0  }
0x7: {  	s4 =	smul.u32 $0x2800, s9;
	_ =	strace $0x80000047;
	s8 =	ssub.s32 $0x2, s9  }
0x8: {  	p0 =	sne.s32 s9, $0x0;
	s9 =	simm.s32 $0x2760;
	s24 =	sshrl.u32 s8, $0x1  }
0x9: {  	s25 =	sshrl.u32 s5, $0x3;
	s26 =	sshrl.u32 s10, $0x3;
	s31 =	sshrl.u32 s28, $0x2  }
0xa: {  	s10 =	simm.s32 $0x1;
	s4 =	sadd.s32 s7, s4;
	s8 =	ssub.s32 s8, s24  }
0xb: {  	s29 =	sadd.s32 s11, s25;
	s30 =	sadd.s32 s11, s26;
	s5 =	sadd.s32 s31, s6  }
0xc: {  	s6 =	sadd.s32 s7, s6;
	s11 =	simm.s32 $0x280;
	s4 =	sshrl.u32 s4, $0x3  }
0xd: {  	s8 =	smax.u32 s8, $0x1;
	s12 =	sadd.s32 s4, s3;
	s3 =	sadd.s32 $0xEB00, s29  }
0xe: {  	v0 =	vimm.f32 $0.0e+00;
	v1 =	vimm.f32 $1.000000000e+00;
	s4 =	sadd.s32 $0x9C40, s30;
	s7 =	sadd.s32 $0x15A00, s12;
	s12 =	simm.s32 $0x2800  }
.LBB2_1:
0xf: {  	s16 =	simm.s32 @p0 $0x0  }
0x10: {  	[tilespmem:s16], [sflag:$0x1] =	stream.linear.gather @p0 [hbm4b:s3+s16], $0x26C0, $0x38;
	[tilespmem:$0xA1E0] =	vst v63  }
0x11: {  	s16 =	simm.s32 @p0 $0x1  }
0x12: {  	_ =	swait.ge @p0 [sflag:s16], $0x26C0  }
0x13: {  	[sflag:s16] =	ssyncset.done @p0 $0x0  }
0x14: {  	[sflag:s16] =	ssyncadd.s32 @p0 $0xFFFFD940;
	s16 =	simm.s32 @!p0 $0x0  }
0x15: {  	[tilespmem:s16], [sflag:$0x1] =	stream.linear.gather @!p0 [hbm4b:s4+s16], $0x2760, $0x38;
	[tilespmem:$0xA1E0] =	vst v63  }
0x16: {  	s16 =	simm.s32 @!p0 $0x1  }
0x17: {  	_ =	swait.ge @!p0 [sflag:s16], $0x2760  }
0x18: {  	[sflag:s16] =	ssyncset.done @!p0 $0x0  }
0x19: {  	s17 =	simm.s32 $0x0;
	[sflag:s16] =	ssyncadd.s32 @!p0 $0xFFFFD8A0;
	s16 =	simm.s32 $0x40  }
.LBB2_2:
0x1a: {  	p1 =	sne.s32 s16, $0x9FC0;
	[tilespmem:s17+$0x2760] =	vst v0;
	s17 =	smov.u32 s16;
	s16 =	sadd.s32 $0x40, s16  }
.Ltmp0:
0x1b: {  	(pc) =	sbr.rel @p1 .LBB2_2-.Ltmp0, $2  }
0x1c: {  	_ =	sdelay $0x2  }
0x1d: {  	s17 =	sshra.s32 s17, $0x2  }
.Ltmp1:
0x1e: {  	(pc) =	sbr.rel @p0 .LBB2_5-.Ltmp1, $2  }
0x1f: {  	_ =	sdelay $0x2  }
0x20: {  	[tilespmem:s17+$0x2760] =	vst v0;
	s16 =	simm.s32 $0x0  }
.LBB2_4:
0x21: {  	s17 =	sshra.s32 s16, $0x2  }
0x22: {  	v2 =	vld [tilespmem:s17+$0x0];
	_ =	sdelay $0x7  }
0x23: {  	[tilespmem:v2+s9+$0x0] =	vst.idx.add.f32.msk $0xffff, v1  }
0x24: {  	v2 =	vld [tilespmem:s17+$0x10];
	_ =	sdelay $0x7  }
0x25: {  	[tilespmem:v2+s9+$0x0] =	vst.idx.add.f32.msk $0xffff, v1  }
0x26: {  	v2 =	vld [tilespmem:s17+$0x20];
	_ =	sdelay $0x7  }
0x27: {  	[tilespmem:v2+s9+$0x0] =	vst.idx.add.f32.msk $0xffff, v1  }
0x28: {  	v2 =	vld [tilespmem:s17+$0x30];
	_ =	sdelay $0x7  }
0x29: {  	[tilespmem:v2+s9+$0x0] =	vst.idx.add.f32.msk $0xffff, v1  }
0x2a: {  	v2 =	vld [tilespmem:s17+$0x40];
	_ =	sdelay $0x2  }
0x2b: {  	p1 =	seq.s32 s16, $0x9C40  }
.Ltmp2:
0x2c: {  	_ = 	snop;
	(pc) =	sbr.rel @!p1 .LBB2_4-.Ltmp2, $2  }
0x2d: {  	_ =	sdelay $0x2  }
0x2e: {  	s16 =	sadd.s32 $0x140, s16;
	[tilespmem:v2+s9+$0x0] =	vst.idx.add.f32.msk $0xffff, v1  }
.Ltmp3:
0x2f: {  	_ = 	snop;
	(pc) =	sbr.rel .LBB2_6-.Ltmp3, $1  }
0x30: {  	_ =	sdelay $0x3  }
.LBB2_5:
0x31: {  	s17 =	sshra.s32 s16, $0x2  }
0x32: {  	v2 =	vld [tilespmem:s17+$0x0];
	_ =	sdelay $0x7  }
0x33: {  	[tilespmem:v2+s9+$0x0] =	vst.idx.add.f32.msk $0xffff, v1  }
0x34: {  	v2 =	vld [tilespmem:s17+$0x10];
	_ =	sdelay $0x7  }
0x35: {  	[tilespmem:v2+s9+$0x0] =	vst.idx.add.f32.msk $0xffff, v1  }
0x36: {  	v2 =	vld [tilespmem:s17+$0x20];
	_ =	sdelay $0x7  }
0x37: {  	[tilespmem:v2+s9+$0x0] =	vst.idx.add.f32.msk $0xffff, v1  }
0x38: {  	v2 =	vld [tilespmem:s17+$0x30];
	_ =	sdelay $0x7  }
0x39: {  	[tilespmem:v2+s9+$0x0] =	vst.idx.add.f32.msk $0xffff, v1  }
0x3a: {  	v2 =	vld [tilespmem:s17+$0x40];
	_ =	sdelay $0x2  }
0x3b: {  	p1 =	sne.s32 s16, $0x99C0  }
.Ltmp4:
0x3c: {  	_ = 	snop;
	(pc) =	sbr.rel @p1 .LBB2_5-.Ltmp4, $2  }
0x3d: {  	_ =	sdelay $0x2  }
0x3e: {  	s16 =	sadd.s32 $0x140, s16;
	[tilespmem:v2+s9+$0x0] =	vst.idx.add.f32.msk $0xffff, v1  }
.LBB2_6:
0x3f: {  	[spmem:s5] =	stream.linear.scatter [tilespmem:s9], [sflag:$0x1], $0x2800, $0x38;
	[tilespmem:$0xA1E0] =	vst v63  }
0x40: {  	_ =	swait.ge [sflag:s10], $0x2800  }
0x41: {  	[sflag:s10] =	ssyncset.done $0x0  }
0x42: {  	[sflag:s10] =	ssyncadd.s32 $0xFFFFD800  }
0x43: {  	[bflag:$0x0] =	sbarrier.arrive $0xFFFF  }
0x44: {  	[tilespmem:s13], [sflag:$0x1] =	stream.strided.gather [spmem:s6], $0x2800, s12, s11, $0x38;
	[tilespmem:$0xA1E0] =	vst v63  }
0x45: {  	_ =	swait.ge [sflag:s10], $0x2800  }
0x46: {  	[sflag:s10] =	ssyncset.done $0x0  }
0x47: {  	s17 =	simm.s32 $0x0;
	[sflag:s10] =	ssyncadd.s32 $0xFFFFD800  }
0x48: {  	v2 =	vld [tilespmem:s17+$0x7760]  }
0x49: {  	v3 =	vld [tilespmem:s17+$0x79E0];
	_ =	sdelay $0x1  }
0x4a: {  	v4 =	vld [tilespmem:s17+$0x7C60];
	_ =	sdelay $0x1  }
0x4b: {  	v5 =	vld [tilespmem:s17+$0x7EE0]  }
0x4c: {  	v2 =	vadd.f32 v3, v2  }
0x4d: {  	v3 =	vld [tilespmem:s17+$0x8160]  }
0x4e: {  	v2 =	vadd.f32 v4, v2  }
0x4f: {  	v4 =	vld [tilespmem:s17+$0x83E0]  }
0x50: {  	v2 =	vadd.f32 v5, v2  }
0x51: {  	v5 =	vld [tilespmem:s17+$0x8660]  }
0x52: {  	v2 =	vadd.f32 v3, v2  }
0x53: {  	v3 =	vld [tilespmem:s17+$0x88E0]  }
0x54: {  	s16 =	simm.s32 $0x10;
	v6 =	vld [tilespmem:s17+$0x8B60];
	v2 =	vadd.f32 v4, v2  }
0x55: {  	v7 =	vld [tilespmem:s16+$0x7760]  }
0x56: {  	v4 =	vld [tilespmem:s17+$0x8DE0];
	v2 =	vadd.f32 v5, v2  }
0x57: {  	v5 =	vld [tilespmem:s16+$0x79E0]  }
0x58: {  	v8 =	vld [tilespmem:s16+$0x7C60];
	v2 =	vadd.f32 v3, v2  }
0x59: {  	v3 =	vld [tilespmem:s17+$0x9060]  }
0x5a: {  	v9 =	vld [tilespmem:s16+$0x7EE0];
	v2 =	vadd.f32 v6, v2  }
0x5b: {  	v6 =	vld [tilespmem:s17+$0x92E0]  }
0x5c: {  	v5 =	vadd.f32 v5, v7;
	v7 =	vld [tilespmem:s16+$0x8160];
	v2 =	vadd.f32 v4, v2  }
0x5d: {  	v4 =	vld [tilespmem:s17+$0x9560]  }
0x5e: {  	v5 =	vadd.f32 v8, v5;
	v8 =	vld [tilespmem:s16+$0x83E0];
	v2 =	vadd.f32 v3, v2  }
0x5f: {  	v3 =	vld [tilespmem:s17+$0x97E0]  }
0x60: {  	v10 =	vld [tilespmem:s16+$0x8660];
	v5 =	vadd.f32 v9, v5;
	v2 =	vadd.f32 v6, v2  }
0x61: {  	v9 =	vld [tilespmem:s17+$0x9A60]  }
0x62: {  	v6 =	vadd.f32 v7, v5;
	v5 =	vld [tilespmem:s16+$0x88E0];
	v7 =	vadd.f32 v4, v2  }
0x63: {  	v4 =	vld [tilespmem:s17+$0x9CE0]  }
0x64: {  	v2 =	vld [tilespmem:s16+$0x8DE0];
	v8 =	vadd.f32 v8, v6;
	v11 =	vadd.f32 v3, v7  }
0x65: {  	s18 =	simm.s32 $0x20;
	v6 =	vld [tilespmem:s16+$0x8B60]  }
0x66: {  	s19 =	simm.s32 $0xC0;
	v3 =	vld [tilespmem:s18+$0x7760];
	v7 =	vadd.f32 v10, v8;
	v8 =	vadd.f32 v9, v11  }
.LBB2_7:
0x67: {  	p1 =	sne.s32 s19, $0x9C0;
	v9 =	vld [tilespmem:s18+$0x79E0]  }
0x68: {  	v5 =	vadd.f32 v5, v7;
	v7 =	vld [tilespmem:s16+$0x9060];
	v4 =	vadd.f32 v4, v8  }
0x69: {  	v8 =	vld [tilespmem:s18+$0x7C60]  }
0x6a: {  	v5 =	vadd.f32 v6, v5;
	v6 =	vld [tilespmem:s16+$0x92E0];
	[tilespmem:s17+$0x9F60] =	vst v4;
	s17 =	smov.u32 s16;
	s16 =	smov.u32 s18  }
0x6b: {  	v4 =	vld [tilespmem:s16+$0x7EE0]  }
0x6c: {  	v3 =	vadd.f32 v9, v3;
	v2 =	vadd.f32 v2, v5;
	v5 =	vld [tilespmem:s17+$0x9560]  }
0x6d: {  	v9 =	vld [tilespmem:s16+$0x8160]  }
0x6e: {  	v3 =	vadd.f32 v8, v3;
	v2 =	vadd.f32 v7, v2;
	v7 =	vld [tilespmem:s17+$0x97E0]  }
0x6f: {  	v8 =	vld [tilespmem:s16+$0x83E0]  }
0x70: {  	v3 =	vadd.f32 v4, v3;
	v2 =	vadd.f32 v6, v2;
	v10 =	vld [tilespmem:s17+$0x9A60]  }
0x71: {  	v11 =	vld [tilespmem:s16+$0x8660]  }
.Ltmp5:
0x72: {  	v3 =	vadd.f32 v9, v3;
	v6 =	vadd.f32 v5, v2;
	v4 =	vld [tilespmem:s17+$0x9CE0];
	(pc) =	sbr.rel @p1 .LBB2_7-.Ltmp5, $4  }
0x73: {  	v5 =	vld [tilespmem:s16+$0x88E0]  }
0x74: {  	v8 =	vadd.f32 v8, v3;
	v2 =	vld [tilespmem:s16+$0x8DE0];
	v9 =	vadd.f32 v7, v6  }
0x75: {  	s18 =	sshra.s32 s19, $0x2;
	v6 =	vld [tilespmem:s16+$0x8B60]  }
0x76: {  	s19 =	sadd.s32 $0x40, s19;
	v3 =	vld [tilespmem:s18+$0x7760];
	v7 =	vadd.f32 v11, v8;
	v8 =	vadd.f32 v10, v9  }
0x77: {  	v9 =	vld [tilespmem:s18+$0x79E0]  }
0x78: {  	v10 =	vld [tilespmem:s16+$0x9060];
	v4 =	vadd.f32 v4, v8  }
0x79: {  	v49 =	vld [tilespmem:s18+$0x7C60]  }
0x7a: {  	v11 =	vld [tilespmem:s16+$0x92E0];
	v5 =	vadd.f32 v5, v7;
	[tilespmem:s17+$0x9F60] =	vst v4  }
0x7b: {  	v4 =	vld [tilespmem:s18+$0x7EE0]  }
0x7c: {  	v5 =	vadd.f32 v6, v5;
	v3 =	vadd.f32 v9, v3  }
0x7d: {  	v50 =	vld [tilespmem:s18+$0x8160]  }
0x7e: {  	v51 =	vld [tilespmem:s16+$0x9560];
	v2 =	vadd.f32 v2, v5;
	v3 =	vadd.f32 v49, v3  }
0x7f: {  	v52 =	vld [tilespmem:s18+$0x83E0]  }
0x80: {  	v53 =	vld [tilespmem:s16+$0x97E0];
	v2 =	vadd.f32 v10, v2;
	v3 =	vadd.f32 v4, v3  }
0x81: {  	v54 =	vld [tilespmem:s18+$0x8660]  }
0x82: {  	v55 =	vld [tilespmem:s16+$0x9A60];
	v2 =	vadd.f32 v11, v2;
	v3 =	vadd.f32 v50, v3  }
0x83: {  	v56 =	vld [tilespmem:s18+$0x88E0]  }
0x84: {  	v57 =	vld [tilespmem:s16+$0x9CE0];
	v2 =	vadd.f32 v51, v2;
	v3 =	vadd.f32 v52, v3  }
0x85: {  	v58 =	vld [tilespmem:s18+$0x8B60]  }
0x86: {  	v2 =	vadd.f32 v53, v2;
	v3 =	vadd.f32 v54, v3  }
0x87: {  	v59 =	vld [tilespmem:s18+$0x8DE0]  }
0x88: {  	v2 =	vadd.f32 v55, v2;
	v3 =	vadd.f32 v56, v3  }
0x89: {  	v60 =	vld [tilespmem:s18+$0x9060]  }
0x8a: {  	v2 =	vadd.f32 v57, v2;
	v3 =	vadd.f32 v58, v3  }
0x8b: {  	v61 =	vld [tilespmem:s18+$0x92E0]  }
0x8c: {  	[tilespmem:s16+$0x9F60] =	vst v2;
	v2 =	vadd.f32 v59, v3  }
0x8d: {  	v3 =	vld [tilespmem:s18+$0x9560]  }
0x8e: {  	v2 =	vadd.f32 v60, v2  }
0x8f: {  	v62 =	vld [tilespmem:s18+$0x97E0]  }
0x90: {  	v2 =	vadd.f32 v61, v2  }
0x91: {  	v63 =	vld [tilespmem:s18+$0x9A60]  }
0x92: {  	v2 =	vadd.f32 v3, v2  }
0x93: {  	v3 =	vld [tilespmem:s18+$0x9CE0]  }
0x94: {  	v2 =	vadd.f32 v62, v2;
	_ =	sdelay $0x1  }
0x95: {  	v2 =	vadd.f32 v63, v2;
	_ =	sdelay $0x1  }
0x96: {  	s15 =	sadd.s32 $0x1, s15;
	v2 =	vadd.f32 v3, v2  }
0x97: {  	p1 =	sne.s32 s15, s8  }
.Ltmp6:
0x98: {  	[tilespmem:s18+$0x9F60] =	vst v2;
	(pc) =	sbr.rel @p1 .LBB2_1-.Ltmp6, $4  }
0x99: {  	[hbm4b:s7+s2] =	stream.linear.scatter [tilespmem:s14], [sflag:$0x1], $0x280, $0x38;
	[tilespmem:$0xA1E0] =	vst v63  }
0x9a: {  	_ =	swait.ge [sflag:s10], $0x280  }
0x9b: {  	[sflag:s10] =	ssyncset.done $0x0  }
0x9c: {  	[sflag:s10] =	ssyncadd.s32 $0xFFFFFD80  }
0x9d: {  	_ =	sfence.sel $0x180000  }
0x9e: {  	[bflag:$0x0] =	sbarrier.arrive $0xFFFF  }
0x9f: {  	p0 =	sne.s32 s0, $0x0;
	_ =	strace $0x90000047  }
0xa0: {  	s0 =	sadd.s32 @!p0 $0x100000, s1;
	[bflag:$0x2] =	sbarrier.arrive $0xFFFF  }
0xa1: {  	[sflag:s0] =	ssyncadd.tile.s32 @!p0 $0x1;
	_ =	shalt  }
.Lfunc_end2:
_tile_overlayer_lowered:
.L_overlay_start_2:
0xa2: {  	(tag) =	ssettag $0x2  }
0xa3: {  	s0 =	rddreg [dreg:$0x0];
	s2 =	stileid.u32  }
0xa4: {  	s1 =	rddreg [dreg:$0x1];
	p0 =	sne.s32 s2, $0x0  }
0xa5: {  	s3 =	rddreg [dreg:$0x2];
	[bflag:$0x3] =	sbarrier.arrive $0xFFFF;
	s2 =	simm.s32 @!p0 $0x1C01  }
0xa6: {  	[timem:s3], [sflag:s2] =	dma.local @!p0 [hbm:s0], s1  }
0xa7: {  	s0 =	simm.s32 @!p0 $0x1  }
0xa8: {  	_ =	swait.ge @!p0 [sflag:s0], s1  }
0xa9: {  	s1 =	ssub.s32 @!p0 $0x0, s1;
	[sflag:s0] =	ssyncset.done @!p0 $0x0  }
0xaa: {  	[sflag:s0] =	ssyncadd.s32 @!p0 s1  }
0xab: {  	[bflag:$0x3] =	sbarrier.arrive $0xFFFF  }
0xac: {  	_ =	shalt  }

// kernel: kernel.9.cloned.1.call-start
scs
__scs_entry_jumppad:
0x0: {  	(pc) =	sbr.rel $0x88, $3  }
0x1: {  	(tag) =	ssettag $0x0;
	lr =	simm.s32 $0x1  }
0x2: {  	[smem:$0x3F97] =	sst lr;
	_ =	strace $0xD0000000  }
0x3: {  	_ = 	snop  }
0x4: {  	_ = 	snop  }
0x5: {  	_ = 	snop  }
0x6: {  	_ = 	snop  }
0x7: {  	_ = 	snop  }
__scs_overlays_trampoline_lowered:
0x8: {  	[smem:$0x3FA6] =	sst s0  }
0x9: {  	[smem:$0x3FA7] =	sst s1  }
0xa: {  	[smem:$0x3FA8] =	sst s2  }
0xb: {  	[smem:$0x3FA9] =	sst s3  }
0xc: {  	[smem:$0x3FAA] =	sst s4  }
0xd: {  	[smem:$0x3FAB] =	sst s5  }
0xe: {  	[smem:$0x3FAC] =	sst s6  }
0xf: {  	[smem:$0x3FAD] =	sst s7  }
0x10: {  	[smem:$0x3FAE] =	sst s8  }
0x11: {  	[smem:$0x3FAF] =	sst s9;
	s0 =	simm.s32 @!p0 $0x0  }
0x12: {  	s1 =	sld [smem:$0x3F95];
	s0 =	simm.s32 @p0 $0x1  }
0x13: {  	[smem:$0x3FB0] =	sst s0;
	s0 =	simm.s32 @!p1 $0x0  }
0x14: {  	s2 =	sld [smem:$0x3F94];
	s0 =	simm.s32 @p1 $0x1  }
0x15: {  	[smem:$0x3FB1] =	sst s0;
	s0 =	simm.s32 @!p2 $0x0  }
0x16: {  	s3 =	sld [smem:$0x3FDB];
	s0 =	simm.s32 @p2 $0x1  }
0x17: {  	s4 =	simm.s32 $0x1BF5;
	[smem:$0x3FB3] =	sst s0  }
0x18: {  	s0 =	sld [smem:$0x3F96];
	_ =	swait.ge [sflag:s4], $0x0  }
0x19: {  	s7 =	sld [smem:$0x3F97]  }
0x1a: {  	s8 =	sadd.s32 $0xFFFFE003, lr  }
0x1b: {  	s9 =	sadd.s32 $0xFFFFFEF7, lr;
	s5 =	simm.s32 $0xFFFFFFFF;
	p2 =	slt.u32 s8, $0xFFFFF086  }
0x1c: {  	p1 =	slt.u32 s9, $0xF7A;
	s5 =	simm.s32 @!p2 $0x0  }
0x1d: {  	s5 =	simm.s32 @p1 $0x1;
	p0 =	seq.s32 s7, s2  }
0x1e: {  	s7 =	smul.u32 @!p0 $0xF7A, s2;
	p2 =	seq.s32 @!p0 s5, $0x0  }
0x1f: {  	s9 =	smul.u32 $0xF7A, s1;
	s8 =	simm.s32 @!p0 $0x1BF5;
	p2 =	por !p2, p0  }
0x20: {  	[sflag:s8] =	ssyncset.s32 @!p0 $0xFFFFF086;
	s6 =	sadd.s32 @!p0 s3, s7;
	s7 =	simm.s32 @!p0 $0x108  }
0x21: {  	s3 =	sadd.s32 s3, s9;
	s6 =	sadd.s32 @!p0 $0x88, s6;
	s7 =	simm.s32 @p2 $0x1082  }
0x22: {  	[simem:s7], [sflag:s8] =	dma.local @!p0 [hbm:s6], $0xF7A  }
0x23: {  	s9 =	sor.u32 $0xD0000000, s2;
	s6 =	simm.s32 $0x108;
	_ =	swait.ge @!p0 [sflag:s8], $0x0  }
0x24: {  	s3 =	sadd.s32 $0x88, s3;
	s6 =	simm.s32 @!p1 $0x1082;
	[sflag:s4] =	ssyncset.s32 $0xFFFFF086  }
0x25: {  	[simem:s6], [sflag:s4] =	dma.local [hbm:s3], $0xF7A  }
0x26: {  	[smem:$0x3F97] =	sst s1;
	(tag) =	ssettag s2;
	_ =	strace s9  }
0x27: {  	s1 =	sld [smem:$0x3FA7]  }
0x28: {  	s2 =	sld [smem:$0x3FA8]  }
0x29: {  	s4 =	sld [smem:$0x3FAA]  }
0x2a: {  	p0 =	seq.s32 s5, $0x0;
	s5 =	sld [smem:$0x3FAB]  }
0x2b: {  	s6 =	sld [smem:$0x3FAC]  }
0x2c: {  	s7 =	sld [smem:$0x3FAD]  }
0x2d: {  	s3 =	simm.s32 $0x108;
	s8 =	sld [smem:$0x3FAE]  }
0x2e: {  	s3 =	simm.s32 @!p0 $0x1082;
	s9 =	sld [smem:$0x3FAF]  }
0x2f: {  	lr =	sadd.s32 s0, s3;
	s0 =	sld [smem:$0x3FA6]  }
0x30: {  	s3 =	sld [smem:$0x3FA9]  }
0x31: {  	[smem:$0x3FB2] =	sst s10  }
0x32: {  	s10 =	sld [smem:$0x3FB0];
	_ =	sdelay $0x3  }
0x33: {  	p0 =	seq.s32 s10, $0x1;
	s10 =	sld [smem:$0x3FB2];
	_ =	sdelay $0x3  }
0x34: {  	[smem:$0x3FB2] =	sst s10  }
0x35: {  	s10 =	sld [smem:$0x3FB1];
	_ =	sdelay $0x3  }
0x36: {  	p1 =	seq.s32 s10, $0x1;
	s10 =	sld [smem:$0x3FB2];
	_ =	sdelay $0x3  }
0x37: {  	[smem:$0x3FB2] =	sst s10  }
0x38: {  	s10 =	sld [smem:$0x3FB3]  }
0x39: {  	_ = 	snop;
	(pc) =	sbr.ind lr, $3  }
0x3a: {  	_ = 	snop  }
0x3b: {  	_ = 	snop  }
0x3c: {  	p2 =	seq.s32 s10, $0x1;
	s10 =	sld [smem:$0x3FB2]  }
0x3d: {  	_ =	shalt  }
0x3e: {  	_ =	shalt  }
0x3f: {  	_ =	shalt  }
0x40: {  	_ =	shalt  }
0x41: {  	_ =	shalt  }
0x42: {  	_ =	shalt  }
0x43: {  	_ =	shalt  }
0x44: {  	_ =	shalt  }
0x45: {  	_ =	shalt  }
0x46: {  	_ =	shalt  }
0x47: {  	_ =	shalt  }
0x48: {  	_ =	shalt  }
0x49: {  	_ =	shalt  }
0x4a: {  	_ =	shalt  }
0x4b: {  	_ =	shalt  }
0x4c: {  	_ =	shalt  }
0x4d: {  	_ =	shalt  }
0x4e: {  	_ =	shalt  }
0x4f: {  	_ =	shalt  }
0x50: {  	_ =	shalt  }
0x51: {  	_ =	shalt  }
0x52: {  	_ =	shalt  }
0x53: {  	_ =	shalt  }
0x54: {  	_ =	shalt  }
0x55: {  	_ =	shalt  }
0x56: {  	_ =	shalt  }
0x57: {  	_ =	shalt  }
0x58: {  	_ =	shalt  }
0x59: {  	_ =	shalt  }
0x5a: {  	_ =	shalt  }
0x5b: {  	_ =	shalt  }
0x5c: {  	_ =	shalt  }
0x5d: {  	_ =	shalt  }
0x5e: {  	_ =	shalt  }
0x5f: {  	_ =	shalt  }
0x60: {  	_ =	shalt  }
0x61: {  	_ =	shalt  }
0x62: {  	_ =	shalt  }
0x63: {  	_ =	shalt  }
0x64: {  	_ =	shalt  }
0x65: {  	_ =	shalt  }
0x66: {  	_ =	shalt  }
0x67: {  	_ =	shalt  }
0x68: {  	_ =	shalt  }
0x69: {  	_ =	shalt  }
0x6a: {  	_ =	shalt  }
0x6b: {  	_ =	shalt  }
0x6c: {  	_ =	shalt  }
0x6d: {  	_ =	shalt  }
0x6e: {  	_ =	shalt  }
0x6f: {  	_ =	shalt  }
0x70: {  	_ =	shalt  }
0x71: {  	_ =	shalt  }
0x72: {  	_ =	shalt  }
0x73: {  	_ =	shalt  }
0x74: {  	_ =	shalt  }
0x75: {  	_ =	shalt  }
0x76: {  	_ =	shalt  }
0x77: {  	_ =	shalt  }
0x78: {  	_ =	shalt  }
0x79: {  	_ =	shalt  }
0x7a: {  	_ =	shalt  }
0x7b: {  	_ =	shalt  }
0x7c: {  	_ =	shalt  }
0x7d: {  	_ =	shalt  }
0x7e: {  	_ =	shalt  }
0x7f: {  	_ =	shalt  }
0x80: {  	_ =	shalt  }
0x81: {  	_ =	shalt  }
0x82: {  	_ =	shalt  }
0x83: {  	_ =	shalt  }
0x84: {  	_ =	shalt  }
0x85: {  	_ =	shalt  }
0x86: {  	_ =	shalt  }
0x87: {  	_ =	shalt  }
.Lfunc_end0:
.L_simem_size_0:
called_computation.1_lowered:
.L_overlay_start_0:
0x88: {  	s2 =	sld [smem:$0x3FD9]  }
0x89: {  	s3 =	sld [smem:$0x3FFE];
	_ =	sdelay $0x1  }
0x8a: {  	s1 =	srdreg.scid  }
0x8b: {  	s0 =	sand.u32 $0x1, s1  }
0x8c: {  	s16 =	sshll.u32 s0, $0xA;
	s2 =	sadd.s32 s3, s2  }
0x8d: {  	s2 =	sadd.s32 s2, s16  }
0x8e: {  	[smem:$0x3FBE] =	sst s2  }
0x8f: {  	_ = 	snop  }
0x90: {  	(tm) =	ssettm $0x1  }
0x91: {  	s17 =	sld [smem:$0x3FFB];
	_ =	sdelay $0x3  }
0x92: {  	_ =	strace s17  }
0x93: {  	s2 =	sld [smem:$0x3FFC];
	_ =	sdelay $0x3  }
0x94: {  	_ =	strace s2  }
0x95: {  	s2 =	sld [smem:$0x3FFD];
	_ =	sdelay $0x3  }
0x96: {  	_ =	strace s2  }
0x97: {  	_ =	strace $0x8FFFFFFF  }
0x98: {  	s18 =	sld [smem:$0x3FDB];
	_ =	sdelay $0x1  }
0x99: {  	s19 =	simm.s32 $_scs_section_size  }
0x9a: {  	s4 =	simm.s32 $_size__tile_overlayer_lowered;
	s5 =	simm.s32 $_tile_overlayer_lowered  }
0x9b: {  	s22 =	simm.s32 $0x1BFF;
	s21 =	sshll.u32 s5, $0x1;
	s2 =	sadd.s32 s19, s18  }
0x9c: {  	s6 =	simm.s32 $0x0;
	s20 =	sshll.u32 s4, $0x1;
	s4 =	sadd.s32 s21, s2  }
0x9d: {  	[timem:s6], [sflag:s22] =	dma.local [hbm:s4], s20  }
0x9e: {  	_ =	swait.ge [sflag:s22], s20  }
0x9f: {  	s3 =	ssub.s32 $0x0, s20;
	[sflag:s22] =	ssyncset.done $0x0  }
0xa0: {  	[sflag:s22] =	ssyncadd.s32 s3;
	_ =	sdelay $0x1  }
0xa1: {  	s23 =	simm.s32 $0x1B8B  }
0xa2: {  	_ =	swait.ge [sflag:s23], $0x1  }
0xa3: {  	[sflag:s23] =	ssyncset.done $0x0  }
0xa4: {  	s25 =	simm.s32 $0x1B8E;
	s24 =	sld [smem:$0x3FFE];
	[sflag:s23] =	ssyncadd.s32 $0xFFFFFFFF  }
0xa5: {  	s26 =	simm.s32 $execute0_lowered;
	[smem:$0x3FD2] =	sst s25  }
0xa6: {  	s4 =	sshll.u32 s26, $0x1;
	_ =	strace $0x80000049;
	[dreg:$0x1] =	wrdreg $0xFFFFFFFF  }
0xa7: {  	s28 =	simm.s32 $_size_execute0_lowered;
	s2 =	sadd.s32 s2, s4;
	[dreg:$0x0] =	wrdreg $0x0  }
0xa8: {  	s4 =	sshll.u32 s28, $0x1;
	[dreg:$0x2] =	wrdreg s2  }
0xa9: {  	[dreg:$0x3] =	wrdreg s4  }
0xaa: {  	[dreg:$0x4] =	wrdreg $0xC0  }
0xab: {  	_ =	task [dreg:s6], $0x5FFFF  }
0xac: {  	[dreg:$0x1] =	wrdreg $0xFFFFFFFF  }
0xad: {  	[dreg:$0x0] =	wrdreg $0x60  }
0xae: {  	[dreg:$0x2] =	wrdreg s24  }
0xaf: {  	[dreg:$0x3] =	wrdreg $0x9EC00  }
0xb0: {  	[dreg:$0x4] =	wrdreg $0x9  }
0xb1: {  	_ =	task.clear_ibuf [dreg:s6], $0x5FFFF;
	_ =	strace $0x90000049  }
0xb2: {  	s29 =	simm.s32 $0x9;
	_ =	strace $0x8000004B  }
0xb3: {  	_ =	swait.ge [sflag:s29], $0x1  }
0xb4: {  	[sflag:s29] =	ssyncadd.s32 $0xFFFFFFFF  }
0xb5: {  	_ =	strace $0x9000004B  }
0xb6: {  	_ =	sfence  }
0xb7: {  	s30 =	sld [smem:$0x0];
	_ =	sdelay $0x2  }
0xb8: {  	s31 =	sshll.u32 s1, $0xD;
	s1 =	sshrl.u32 s1, $0x2  }
0xb9: {  	s3 =	sand.u32 $0x4000, s31;
	s1 =	sadd.s32 s1, s30  }
0xba: {  	s0 =	sor.u32 s3, s0;
	s1 =	sshll.u32 s1, $0x11  }
0xbb: {  	s0 =	sor.u32 s1, s0  }
0xbc: {  	s0 =	sadd.s32 $0x8F2B, s0  }
0xbd: {  	[sflag:s0] =	ssyncadd.remote.s32 $0x1  }
0xbe: {  	_ =	sfence.sel $0xFFFF  }
0xbf: {  	[dreg:$0x0] =	wrdreg $0xFFFFFFFF;
	(pc) =	sbr.abs _section_cstart, $3  }
0xc0: {  	[dreg:$0x1] =	wrdreg $0xFFFFFFFF  }
0xc1: {  	_ =	task.clear_ibuf [dreg:s6], $0x2FFFF;
	_ =	strace $0x9FFFFFFF  }
0xc2: {  	(tm) =	ssettm $0x7FFFFFFF  }
0xc3: {  	_ =	shalt  }
tec
execute0_lowered:
.L_overlay_start_1:
0x0: {  	(tag) =	ssettag $0x1  }
0x1: {  	s5 =	rddreg [dreg:$0x0]  }
0x2: {  	s2 =	rddreg [dreg:$0x1]  }
0x3: {  	s0 =	rddreg [dreg:$0x2];
	s4 =	srdreg.scid  }
0x4: {  	s1 =	stileid.u32;
	s3 =	simm.s32 $0x0;
	s20 =	simm.s32 $0x3  }
0x5: {  	s21 =	simm.s32 $0x50;
	s22 =	simm.s32 $0x1;
	s9 =	smul.u32 $0x14000, s1  }
0x6: {  	s23 =	simm.s32 $0x76C0;
	s24 =	simm.s32 $0x2;
	s8 =	smul.u32 $0x26C0, s1  }
0x7: {  	s19 =	sand.u32 $0x1, s4;
	[smem:$0x7FF] =	sst s3;
	s11 =	smul.u32 $0x2760, s1  }
0x8: {  	s4 =	sadd.s32 $0x15A00, s5;
	s7 =	sadd.s32 $0x2000, s5;
	s13 =	smul.u32 $0x50000, s1  }
0x9: {  	s6 =	smul.u32 $0x140000, s19;
	_ =	strace $0x8000004A;
	s10 =	ssub.s32 $0x2, s19  }
0xa: {  	p0 =	sne.s32 s19, $0x0;
	s19 =	simm.s32 $0x4EC0;
	s12 =	sshrl.u32 s10, $0x1  }
0xb: {  	s8 =	sshrl.u32 s8, $0x3;
	s30 =	sshrl.u32 s11, $0x3;
	s31 =	sshrl.u32 s13, $0x2  }
0xc: {  	s6 =	sadd.s32 s9, s6;
	s18 =	ssub.s32 s10, s12;
	s29 =	sadd.s32 s7, s8  }
0xd: {  	s7 =	sadd.s32 s7, s30;
	s16 =	sadd.s32 s31, s2;
	s9 =	sadd.s32 s9, s2  }
.Ltmp0:
0xe: {  	s6 =	sshrl.u32 s6, $0x3;
	s8 =	sadd.s32 $0x9C40, s7;
	(pc) =	sbr.rel .LBB2_1-.Ltmp0, $4  }
0xf: {  	s10 =	sadd.s32 $0x2800, s16;
	s11 =	sadd.s32 $0x5000, s16;
	s12 =	sadd.s32 $0x7800, s16  }
0x10: {  	s13 =	sadd.s32 $0xA000, s16;
	s14 =	sadd.s32 $0xC800, s16;
	s15 =	sadd.s32 $0xF000, s16  }
0x11: {  	s16 =	sadd.s32 $0x11800, s16;
	s18 =	smax.u32 s18, $0x1;
	s17 =	sadd.s32 s6, s5  }
0x12: {  	v0 =	vimm.f32 $0.0e+00;
	s5 =	sadd.s32 $0x4EC0, s29;
	s6 =	sadd.s32 $0xEB00, s29;
	s17 =	sadd.s32 $0x3CC00, s17  }
.LBB2_8:
0x13: {  	_ =	swait.ge [sflag:s22], $0x2800  }
0x14: {  	[sflag:s22] =	ssyncset.done $0x0  }
0x15: {  	[sflag:s22] =	ssyncadd.s32 $0xFFFFD800  }
0x16: {  	[tilespmem:s23], [sflag:$0x2] =	stream.indirect.gather [hbm4b:s4+s21], $0x80, s28, s21, $0xb8;
	[tilespmem:$0x1DEC0] =	vst v63  }
0x17: {  	_ = 	snop  }
0x18: {  	[spmem:s2] =	stream.indirect.scatter.add.f32 [tilespmem:s19], [sflag:$0x3], $0x80, s26, s21, $0xb8;
	[tilespmem:$0x1DEC0] =	vst v63  }
0x19: {  	_ =	swait.ge [sflag:s20], $0x2800  }
0x1a: {  	[sflag:s20] =	ssyncset.done $0x0  }
0x1b: {  	[sflag:s20] =	ssyncadd.s32 $0xFFFFD800  }
0x1c: {  	_ =	swait.ge [sflag:s24], $0x2800  }
0x1d: {  	[sflag:s24] =	ssyncset.done $0x0  }
0x1e: {  	[sflag:s24] =	ssyncadd.s32 $0xFFFFD800  }
0x1f: {  	[spmem:s2] =	stream.indirect.scatter.add.f32 [tilespmem:s23], [sflag:$0x3], $0x80, s25, s21, $0xb8;
	[tilespmem:$0x1DEC0] =	vst v63  }
0x20: {  	_ =	swait.ge [sflag:s20], $0x2800  }
0x21: {  	s30 =	sshll.u32 s1, $0x6;
	s3 =	sadd.s32 $0x1, s3;
	[sflag:s20] =	ssyncset.done $0x0  }
0x22: {  	s31 =	sshrl.u32 s9, $0x3;
	p1 =	sne.s32 s3, s18;
	[sflag:s20] =	ssyncadd.s32 $0xFFFFD800  }
.Ltmp1:
0x23: {  	s25 =	sor.u32 $0x1C03, s30;
	[bflag:$0x0] =	sbarrier.arrive $0xFFFF;
	(pc) =	sbr.rel @!p1 .LBB2_9-.Ltmp1, $4  }
0x24: {  	[hbm:s17], [sflag:s25] =	dma.local [spmem:s31], $0x2800  }
0x25: {  	_ =	swait.ge [sflag:s20], $0x2800  }
0x26: {  	[sflag:s20] =	ssyncset.done $0x0  }
0x27: {  	[sflag:s20] =	ssyncadd.s32 $0xFFFFD800  }
.LBB2_1:
0x28: {  	s25 =	simm.s32 @p0 $0x0;
	s26 =	simm.s32 @p0 $0x3  }
0x29: {  	[tilespmem:s25], [sflag:$0x3] =	stream.linear.gather @p0 [hbm4b:s5+s25], $0x26C0, $0x38;
	[tilespmem:$0x1DEC0] =	vst v63  }
0x2a: {  	_ =	swait.ge @p0 [sflag:s26], $0x26C0  }
0x2b: {  	[sflag:s26] =	ssyncset.done @p0 $0x0  }
0x2c: {  	s28 =	simm.s32 @p0 $0x2760;
	[sflag:s26] =	ssyncadd.s32 @p0 $0xFFFFD940  }
0x2d: {  	[tilespmem:s28], [sflag:$0x3] =	stream.linear.gather @p0 [hbm4b:s6+s25], $0x26C0, $0x38;
	[tilespmem:$0x1DEC0] =	vst v63  }
0x2e: {  	_ =	swait.ge @p0 [sflag:s26], $0x26C0  }
0x2f: {  	[sflag:s26] =	ssyncset.done @p0 $0x0  }
0x30: {  	s25 =	simm.s32 @!p0 $0x0;
	[sflag:s26] =	ssyncadd.s32 @p0 $0xFFFFD940;
	s26 =	simm.s32 @!p0 $0x3  }
0x31: {  	[tilespmem:s25], [sflag:$0x3] =	stream.linear.gather @!p0 [hbm4b:s7+s25], $0x2760, $0x38;
	[tilespmem:$0x1DEC0] =	vst v63  }
0x32: {  	_ =	swait.ge @!p0 [sflag:s26], $0x2760  }
0x33: {  	[sflag:s26] =	ssyncset.done @!p0 $0x0  }
0x34: {  	s28 =	simm.s32 @!p0 $0x2760;
	[sflag:s26] =	ssyncadd.s32 @!p0 $0xFFFFD8A0  }
0x35: {  	[tilespmem:s28], [sflag:$0x3] =	stream.linear.gather @!p0 [hbm4b:s8+s25], $0x2760, $0x38;
	[tilespmem:$0x1DEC0] =	vst v63  }
0x36: {  	_ =	swait.ge @!p0 [sflag:s26], $0x2760  }
0x37: {  	[sflag:s26] =	ssyncset.done @!p0 $0x0  }
0x38: {  	s25 =	simm.s32 $0x0;
	[sflag:s26] =	ssyncadd.s32 @!p0 $0xFFFFD8A0;
	s26 =	simm.s32 $0x200  }
.LBB2_2:
0x39: {  	p1 =	sne.s32 s26, $0x9E00;
	[tilespmem:s25+$0x4F30] =	vst v0  }
0x3a: {  	[tilespmem:s25+$0x4EC0] =	vst v0  }
0x3b: {  	[tilespmem:s25+$0x4ED0] =	vst v0  }
.Ltmp2:
0x3c: {  	[tilespmem:s25+$0x4EE0] =	vst v0;
	(pc) =	sbr.rel @p1 .LBB2_2-.Ltmp2, $4  }
0x3d: {  	[tilespmem:s25+$0x4EF0] =	vst v0  }
0x3e: {  	[tilespmem:s25+$0x4F00] =	vst v0  }
0x3f: {  	[tilespmem:s25+$0x4F10] =	vst v0  }
0x40: {  	[tilespmem:s25+$0x4F20] =	vst v0;
	s25 =	sshra.s32 s26, $0x2;
	s26 =	sadd.s32 $0x200, s26  }
0x41: {  	[tilespmem:s25+$0x4F30] =	vst v0  }
0x42: {  	[tilespmem:s25+$0x4EC0] =	vst v0  }
0x43: {  	[tilespmem:s25+$0x4ED0] =	vst v0  }
0x44: {  	[tilespmem:s25+$0x4EE0] =	vst v0  }
0x45: {  	[tilespmem:s25+$0x4EF0] =	vst v0  }
0x46: {  	[tilespmem:s25+$0x4F00] =	vst v0  }
0x47: {  	[tilespmem:s25+$0x4F10] =	vst v0  }
0x48: {  	[tilespmem:s25+$0x4F20] =	vst v0  }
0x49: {  	[spmem:s9] =	stream.linear.scatter [tilespmem:s19], [sflag:$0x3], $0x2800, $0x38;
	[tilespmem:$0x1DEC0] =	vst v63  }
0x4a: {  	_ =	swait.ge [sflag:s20], $0x2800  }
0x4b: {  	[sflag:s20] =	ssyncset.done $0x0  }
0x4c: {  	[sflag:s20] =	ssyncadd.s32 $0xFFFFD800  }
0x4d: {  	[spmem:s10] =	stream.linear.scatter [tilespmem:s19], [sflag:$0x3], $0x2800, $0x38;
	[tilespmem:$0x1DEC0] =	vst v63  }
0x4e: {  	_ =	swait.ge [sflag:s20], $0x2800  }
0x4f: {  	[sflag:s20] =	ssyncset.done $0x0  }
0x50: {  	[sflag:s20] =	ssyncadd.s32 $0xFFFFD800  }
0x51: {  	[spmem:s11] =	stream.linear.scatter [tilespmem:s19], [sflag:$0x3], $0x2800, $0x38;
	[tilespmem:$0x1DEC0] =	vst v63  }
0x52: {  	_ =	swait.ge [sflag:s20], $0x2800  }
0x53: {  	[sflag:s20] =	ssyncset.done $0x0  }
0x54: {  	[sflag:s20] =	ssyncadd.s32 $0xFFFFD800  }
0x55: {  	[spmem:s12] =	stream.linear.scatter [tilespmem:s19], [sflag:$0x3], $0x2800, $0x38;
	[tilespmem:$0x1DEC0] =	vst v63  }
0x56: {  	_ =	swait.ge [sflag:s20], $0x2800  }
0x57: {  	[sflag:s20] =	ssyncset.done $0x0  }
0x58: {  	[sflag:s20] =	ssyncadd.s32 $0xFFFFD800  }
0x59: {  	[spmem:s13] =	stream.linear.scatter [tilespmem:s19], [sflag:$0x3], $0x2800, $0x38;
	[tilespmem:$0x1DEC0] =	vst v63  }
0x5a: {  	_ =	swait.ge [sflag:s20], $0x2800  }
0x5b: {  	[sflag:s20] =	ssyncset.done $0x0  }
0x5c: {  	[sflag:s20] =	ssyncadd.s32 $0xFFFFD800  }
0x5d: {  	[spmem:s14] =	stream.linear.scatter [tilespmem:s19], [sflag:$0x3], $0x2800, $0x38;
	[tilespmem:$0x1DEC0] =	vst v63  }
0x5e: {  	_ =	swait.ge [sflag:s20], $0x2800  }
0x5f: {  	[sflag:s20] =	ssyncset.done $0x0  }
0x60: {  	[sflag:s20] =	ssyncadd.s32 $0xFFFFD800  }
0x61: {  	[spmem:s15] =	stream.linear.scatter [tilespmem:s19], [sflag:$0x3], $0x2800, $0x38;
	[tilespmem:$0x1DEC0] =	vst v63  }
0x62: {  	_ =	swait.ge [sflag:s20], $0x2800  }
0x63: {  	[sflag:s20] =	ssyncset.done $0x0  }
0x64: {  	[sflag:s20] =	ssyncadd.s32 $0xFFFFD800  }
0x65: {  	[spmem:s16] =	stream.linear.scatter [tilespmem:s19], [sflag:$0x3], $0x2800, $0x38;
	[tilespmem:$0x1DEC0] =	vst v63  }
.Ltmp3:
0x66: {  	_ =	swait.ge [sflag:s20], $0x2800;
	(pc) =	sbr.rel @p0 .LBB2_6-.Ltmp3, $4  }
0x67: {  	[sflag:s20] =	ssyncset.done $0x0  }
0x68: {  	[sflag:s20] =	ssyncadd.s32 $0xFFFFD800  }
0x69: {  	s25 =	simm.s32 $0x0;
	[bflag:$0x0] =	sbarrier.arrive $0xFFFF  }
0x6a: {  	[tilespmem:s19], [sflag:$0x1] =	stream.indirect.gather [hbm4b:s4+s21], $0x80, s25, s21, $0xb8;
	[tilespmem:$0x1DEC0] =	vst v63  }
.LBB2_4:
0x6b: {  	_ =	swait.ge [sflag:s22], $0x2800  }
0x6c: {  	s26 =	sshra.s32 s25, $0x2;
	[sflag:s22] =	ssyncset.done $0x0  }
0x6d: {  	s28 =	sadd.s32 $0x50, s26;
	[sflag:s22] =	ssyncadd.s32 $0xFFFFD800  }
0x6e: {  	[tilespmem:s23], [sflag:$0x2] =	stream.indirect.gather [hbm4b:s4+s21], $0x80, s28, s21, $0xb8;
	[tilespmem:$0x1DEC0] =	vst v63  }
0x6f: {  	s30 =	sadd.s32 $0x2760, s26  }
0x70: {  	[spmem:s2] =	stream.indirect.scatter.add.f32 [tilespmem:s19], [sflag:$0x3], $0x80, s30, s21, $0xb8;
	[tilespmem:$0x1DEC0] =	vst v63  }
0x71: {  	_ =	swait.ge [sflag:s20], $0x2800  }
0x72: {  	[sflag:s20] =	ssyncset.done $0x0  }
0x73: {  	[sflag:s20] =	ssyncadd.s32 $0xFFFFD800  }
0x74: {  	_ =	swait.ge [sflag:s24], $0x2800  }
0x75: {  	[sflag:s24] =	ssyncset.done $0x0  }
0x76: {  	p1 =	seq.s32 s25, $0x9880;
	s31 =	sadd.s32 $0xA0, s26;
	[sflag:s24] =	ssyncadd.s32 $0xFFFFD800  }
0x77: {  	[tilespmem:s19], [sflag:$0x1] =	stream.indirect.gather [hbm4b:s4+s21], $0x80, s31, s21, $0xb8;
	[tilespmem:$0x1DEC0] =	vst v63  }
.Ltmp4:
0x78: {  	s26 =	sadd.s32 $0x27B0, s26;
	(pc) =	sbr.rel @!p1 .LBB2_4-.Ltmp4, $4  }
0x79: {  	[spmem:s2] =	stream.indirect.scatter.add.f32 [tilespmem:s23], [sflag:$0x3], $0x80, s26, s21, $0xb8;
	[tilespmem:$0x1DEC0] =	vst v63  }
0x7a: {  	_ =	swait.ge [sflag:s20], $0x2800  }
0x7b: {  	[sflag:s20] =	ssyncset.done $0x0  }
0x7c: {  	s25 =	sadd.s32 $0x280, s25;
	[sflag:s20] =	ssyncadd.s32 $0xFFFFD800  }
.Ltmp5:
0x7d: {  	(pc) =	sbr.rel .LBB2_8-.Ltmp5, $2  }
0x7e: {  	_ =	sdelay $0x2  }
0x7f: {  	s25 =	simm.s32 $0x4E70;
	s26 =	simm.s32 $0x4E20;
	s28 =	simm.s32 $0x2710  }
.LBB2_6:
0x80: {  	_ =	swait.ge [sflag:s22], $0x2800  }
0x81: {  	s26 =	sshra.s32 s25, $0x2;
	[sflag:s22] =	ssyncset.done $0x0  }
0x82: {  	s28 =	sadd.s32 $0x50, s26;
	[sflag:s22] =	ssyncadd.s32 $0xFFFFD800  }
0x83: {  	[tilespmem:s23], [sflag:$0x2] =	stream.indirect.gather [hbm4b:s4+s21], $0x80, s28, s21, $0xb8;
	[tilespmem:$0x1DEC0] =	vst v63  }
0x84: {  	s30 =	sadd.s32 $0x2760, s26  }
0x85: {  	[spmem:s2] =	stream.indirect.scatter.add.f32 [tilespmem:s19], [sflag:$0x3], $0x80, s30, s21, $0xb8;
	[tilespmem:$0x1DEC0] =	vst v63  }
0x86: {  	_ =	swait.ge [sflag:s20], $0x2800  }
0x87: {  	[sflag:s20] =	ssyncset.done $0x0  }
0x88: {  	[sflag:s20] =	ssyncadd.s32 $0xFFFFD800  }
0x89: {  	_ =	swait.ge [sflag:s24], $0x2800  }
0x8a: {  	[sflag:s24] =	ssyncset.done $0x0  }
0x8b: {  	p1 =	sne.s32 s25, $0x9600;
	s31 =	sadd.s32 $0xA0, s26;
	[sflag:s24] =	ssyncadd.s32 $0xFFFFD800  }
0x8c: {  	[tilespmem:s19], [sflag:$0x1] =	stream.indirect.gather [hbm4b:s4+s21], $0x80, s31, s21, $0xb8;
	[tilespmem:$0x1DEC0] =	vst v63  }
.Ltmp6:
0x8d: {  	s26 =	sadd.s32 $0x27B0, s26;
	(pc) =	sbr.rel @p1 .LBB2_6-.Ltmp6, $4  }
0x8e: {  	[spmem:s2] =	stream.indirect.scatter.add.f32 [tilespmem:s23], [sflag:$0x3], $0x80, s26, s21, $0xb8;
	[tilespmem:$0x1DEC0] =	vst v63  }
0x8f: {  	_ =	swait.ge [sflag:s20], $0x2800  }
0x90: {  	[sflag:s20] =	ssyncset.done $0x0  }
0x91: {  	s25 =	sadd.s32 $0x280, s25;
	[sflag:s20] =	ssyncadd.s32 $0xFFFFD800  }
.Ltmp7:
0x92: {  	(pc) =	sbr.rel .LBB2_8-.Ltmp7, $2  }
0x93: {  	_ =	sdelay $0x2  }
0x94: {  	s25 =	simm.s32 $0x4DD0;
	s26 =	simm.s32 $0x4D80;
	s28 =	simm.s32 $0x2670  }
.LBB2_9:
0x95: {  	_ =	sfence.sel $0x180000  }
0x96: {  	[bflag:$0x0] =	sbarrier.arrive $0xFFFF  }
0x97: {  	p0 =	sne.s32 s1, $0x0;
	_ =	strace $0x9000004A  }
0x98: {  	s0 =	sadd.s32 @!p0 $0x100000, s0;
	[bflag:$0x2] =	sbarrier.arrive $0xFFFF  }
0x99: {  	[sflag:s0] =	ssyncadd.tile.s32 @!p0 $0x1;
	_ =	shalt  }
.Lfunc_end2:
_tile_overlayer_lowered:
.L_overlay_start_2:
0x9a: {  	(tag) =	ssettag $0x2  }
0x9b: {  	s0 =	rddreg [dreg:$0x0];
	s2 =	stileid.u32  }
0x9c: {  	s1 =	rddreg [dreg:$0x1];
	p0 =	sne.s32 s2, $0x0  }
0x9d: {  	s3 =	rddreg [dreg:$0x2];
	[bflag:$0x3] =	sbarrier.arrive $0xFFFF;
	s2 =	simm.s32 @!p0 $0x1C03  }
0x9e: {  	[timem:s3], [sflag:s2] =	dma.local @!p0 [hbm:s0], s1  }
0x9f: {  	s0 =	simm.s32 @!p0 $0x3  }
0xa0: {  	_ =	swait.ge @!p0 [sflag:s0], s1  }
0xa1: {  	s1 =	ssub.s32 @!p0 $0x0, s1;
	[sflag:s0] =	ssyncset.done @!p0 $0x0  }
0xa2: {  	[sflag:s0] =	ssyncadd.s32 @!p0 s1  }
0xa3: {  	[bflag:$0x3] =	sbarrier.arrive $0xFFFF  }
0xa4: {  	_ =	shalt  }

</sc_bundles>
